<compile_context>
chip_gen: v7x
topology: tpu7x:2x2x1
jax: 0.10.2.dev20260603
libtpu: 0.0.44.dev20260713+nightly
codegen_flags: <defaults>
</compile_context>

<pallas_src>
import functools
import math

import jax
import jax.numpy as jnp
from jax import lax
from jax.experimental import pallas as pl
from jax.experimental.pallas import tpu as pltpu
from jax.experimental.pallas import tpu_sc as plsc

_CH = 1024
_SUB = 128
_NSUB = _CH // _SUB


def _mesh():
    return plsc.VectorSubcoreMesh(core_axis_name="c", subcore_axis_name="s")


@functools.cache
def _make_idx_kernel(n_pad, gd):
    mesh = _mesh()
    nw = mesh.num_cores * mesh.num_subcores
    nchunks = n_pad // _CH
    t_iters = math.ceil(nchunks / nw)
    s_r = gd * gd * gd
    s_h = gd * gd
    s_k = gd

    @functools.partial(
        pl.kernel,
        out_type=jax.ShapeDtypeStruct((n_pad,), jnp.int32),
        mesh=mesh,
        compiler_params=pltpu.CompilerParams(
            needs_layout_passes=False, use_tc_tiling_on_sc=False),
        scratch_types=[
            pltpu.VMEM((_CH,), jnp.int32),
            pltpu.VMEM((_CH,), jnp.int32),
            pltpu.VMEM((_CH,), jnp.int32),
            pltpu.VMEM((_CH,), jnp.int32),
            pltpu.VMEM((_CH,), jnp.int32),
            pltpu.VMEM((_CH,), jnp.int32),
            pltpu.SemaphoreType.DMA,
        ],
    )
    def idx_kernel(rasu_hbm, h_hbm, k_hbm, l_hbm, grid_hbm, out_hbm,
                   hbuf, kbuf, lbuf, rbuf, flatb, idxb, sem):
        wid = lax.axis_index("s") * mesh.num_cores + lax.axis_index("c")

        def chunk_body(t, carry):
            c = t * nw + wid

            @pl.when(c < nchunks)
            def _():
                base = c * _CH
                pltpu.sync_copy(h_hbm.at[pl.ds(base, _CH)], hbuf)
                pltpu.sync_copy(k_hbm.at[pl.ds(base, _CH)], kbuf)
                pltpu.sync_copy(l_hbm.at[pl.ds(base, _CH)], lbuf)
                pltpu.sync_copy(rasu_hbm.at[pl.ds(base, _CH)], rbuf)

                def group_body(g, gcarry):
                    sl = pl.ds(g * 16, 16)
                    flatb[sl] = (rbuf[sl] * s_r + hbuf[sl] * s_h
                                 + kbuf[sl] * s_k + lbuf[sl])
                    return gcarry

                lax.fori_loop(0, _CH // 16, group_body, 0)

                descs = [
                    pltpu.async_copy(
                        grid_hbm.at[flatb.at[pl.ds(j * _SUB, _SUB)]],
                        idxb.at[pl.ds(j * _SUB, _SUB)], sem)
                    for j in range(_NSUB)
                ]
                for de in descs:
                    de.wait()
                pltpu.sync_copy(idxb, out_hbm.at[pl.ds(base, _CH)])
            return carry

        lax.fori_loop(0, t_iters, chunk_body, 0)

    return idx_kernel


@functools.cache
def _make_row_kernel(n_out, n_pad, d):
    mesh = _mesh()
    nw = mesh.num_cores * mesh.num_subcores
    nchunks = math.ceil(n_out / _CH)
    t_iters = math.ceil(nchunks / nw)
    tail_c = (n_out - 1) // _CH
    tail_n = n_out - tail_c * _CH
    assert nchunks * _CH <= n_pad

    @functools.partial(
        pl.kernel,
        out_type=jax.ShapeDtypeStruct((n_out, d), jnp.float32),
        mesh=mesh,
        compiler_params=pltpu.CompilerParams(
            needs_layout_passes=False, use_tc_tiling_on_sc=False),
        scratch_types=[
            pltpu.VMEM((_CH,), jnp.int32),
            pltpu.VMEM((_CH, d), jnp.float32),
            pltpu.SemaphoreType.DMA,
        ],
    )
    def row_kernel(src_hbm, idx_hbm, out_hbm, idxb, rows, sem):
        wid = lax.axis_index("s") * mesh.num_cores + lax.axis_index("c")

        def chunk_body(t, carry):
            c = t * nw + wid

            @pl.when(c < nchunks)
            def _():
                base = c * _CH
                pltpu.sync_copy(idx_hbm.at[pl.ds(base, _CH)], idxb)
                descs = [
                    pltpu.async_copy(
                        src_hbm.at[idxb.at[pl.ds(j * _SUB, _SUB)]],
                        rows.at[pl.ds(j * _SUB, _SUB)], sem)
                    for j in range(_NSUB)
                ]
                for de in descs:
                    de.wait()

                if tail_n == _CH:
                    pltpu.sync_copy(rows, out_hbm.at[pl.ds(base, _CH)])
                else:
                    @pl.when(c != tail_c)
                    def _():
                        pltpu.sync_copy(rows, out_hbm.at[pl.ds(base, _CH)])

                    @pl.when(c == tail_c)
                    def _():
                        pltpu.sync_copy(rows.at[pl.ds(0, tail_n)],
                                        out_hbm.at[pl.ds(base, tail_n)])
            return carry

        lax.fori_loop(0, t_iters, chunk_body, 0)

    return row_kernel


def kernel(source, rasu_id, H, reflection_id_grid):
    n = rasu_id.shape[0]
    d = source.shape[1]
    gd = reflection_id_grid.shape[1]
    n_pad = math.ceil(n / _CH) * _CH
    pad = n_pad - n
    H = H.astype(jnp.int32)
    rasu = jnp.pad(rasu_id.astype(jnp.int32), (0, pad))
    h1 = jnp.pad(H[:, 0], (0, pad))
    k1 = jnp.pad(H[:, 1], (0, pad))
    l1 = jnp.pad(H[:, 2], (0, pad))
    grid1d = reflection_id_grid.reshape(-1)
    idx1 = _make_idx_kernel(n_pad, gd)(rasu, h1, k1, l1, grid1d)
    return _make_row_kernel(n, n_pad, d)(source, idx1)

# --- scband reference (transcript-rebuilt; emitter-appended) ---
"""Pipeline reference for scband-reciprocal-asucollection-19095424598563 (READ-ONLY COPY).

The authoritative reference and input builder live on the scoring server;
editing this copy changes nothing except your own understanding.
"""

import jax, jax.numpy as jnp
import numpy as np


def setup_inputs(seed: int = 0) -> dict:
    key = jax.random.key(seed)
    k0, k1, k2, k3 = jax.random.split(key, 4)
    rac_size = 500000
    n_refln = 1000000
    d = 64
    n_asus = 2
    grid_dim = 121  # 2*60 + 1
    source = jax.random.normal(k0, (rac_size, d), dtype=jnp.float32)
    rasu_id = jax.random.randint(k1, (n_refln,), 0, n_asus, dtype=jnp.int64) if jax.config.jax_enable_x64 else jax.random.randint(k1, (n_refln,), 0, n_asus, dtype=jnp.int32).astype(jnp.int64) if False else jax.random.randint(k1, (n_refln,), 0, n_asus)
    H = jax.random.randint(k2, (n_refln, 3), 0, grid_dim)
    # reflection_id_grid maps (rasu_id, h, k, l) -> reflection id in [0, rac_size).
    # In the real module entries can be -1 (absent reflections); here we fill with valid ids.
    reflection_id_grid = jax.random.randint(k3, (n_asus, grid_dim, grid_dim, grid_dim), 0, rac_size, dtype=jnp.int32)
    return {"source": source, "rasu_id": rasu_id, "H": H, "reflection_id_grid": reflection_id_grid}


def reference(source, rasu_id, H, reflection_id_grid):
    # Faithful translation of ReciprocalASUCollection.gather:
    #   h, k, l = H.T
    #   idx = reflection_id_grid[rasu_id, h, k, l]
    #   gathered = source[idx]
    h = H[:, 0]
    k = H[:, 1]
    l = H[:, 2]
    idx = reflection_id_grid[rasu_id, h, k, l]
    gathered = jnp.take(source, idx, axis=0)
    return gathered

if __name__ == "__main__":
    import jax
    _d = setup_inputs()
    print(jax.jit(kernel)(*tuple(_d.values())))

</pallas_src>

<mosaic_0001>
#map = affine_map<(d0, d1) -> (0, 0)>
#map1 = affine_map<(d0, d1) -> (0)>
module attributes {stable_mosaic.version = 14 : i64} {
  func.func @row_kernel(%arg0: i32, %arg1: i32, %arg2: memref<500000x64xf32, #tpu.memory_space<hbm>>, %arg3: memref<1000448xi32, #tpu.memory_space<hbm>>, %arg4: memref<1000000x64xf32, #tpu.memory_space<hbm>>, %arg5: memref<1024xi32, #tpu.memory_space<vmem>>, %arg6: memref<1024x64xf32, #tpu.memory_space<vmem>>, %arg7: memref<!tpu.dma_semaphore, #tpu.memory_space<semaphore_mem>>) attributes {dimension_semantics = [#tpu.dimension_semantics<core_parallel>, #tpu.dimension_semantics<subcore_parallel>], iteration_bounds = array<i64: 2, 16>, scalar_prefetch = 0 : i64, scratch_operands = 3 : i64, tpu.core_type = #tpu.core_type<sc_vector_subcore>, window_params = [{transform_indices = #map}, {transform_indices = #map1}, {transform_indices = #map}]} {
    %mul3A = arith.constant 2 : i32
    %mul3A_0 = arith.muli %arg1, %mul3A : i32
    %add3A = arith.addi %mul3A_0, %arg0 : i32
    %scan3A = arith.constant 0 : i32
    %scan3A_1 = arith.constant 0 : i32
    %scan3A_2 = arith.constant 31 : i32
    %scan3A_3 = arith.addi %scan3A_1, %scan3A_2 : i32
    %scan3A_4 = arith.constant 1 : i32
    scf.for %scan3A_6 = %scan3A_1 to %scan3A_3 step %scan3A_4  : i32 {
      %mul3A_7 = arith.constant 32 : i32
      %mul3A_8 = arith.muli %scan3A_6, %mul3A_7 : i32
      %add3A_9 = arith.addi %mul3A_8, %add3A : i32
      %lt3A = arith.constant 977 : i32
      %lt3A_10 = arith.cmpi slt, %add3A_9, %lt3A : i32
      %convert_element_type3A = arith.extui %lt3A_10 : i1 to i32
      %cond3A = arith.constant 0 : i32
      %cond3A_11 = arith.cmpi ne, %convert_element_type3A, %cond3A : i32
      scf.if %cond3A_11 {
        %mul3A_12 = arith.constant 1024 : i32
        %mul3A_13 = arith.muli %add3A_9, %mul3A_12 : i32
        "tpu.region"() ({
          %run_scoped3A = tpu.sem_alloc : memref<!tpu.dma_semaphore, #tpu.memory_space<semaphore_mem>>
          %dma_start3A_148 = tpu.memref_slice %arg3[%mul3A_13] : memref<1000448xi32, #tpu.memory_space<hbm>> -> memref<1024xi32, #tpu.memory_space<hbm>>
          %dma_start3A_149 = tpu.memref_slice %arg3[%mul3A_13] : memref<1000448xi32, #tpu.memory_space<hbm>> -> memref<1024xi32, #tpu.memory_space<hbm>>
          tpu.enqueue_dma source(%dma_start3A_149 : memref<1024xi32, #tpu.memory_space<hbm>>) target(%arg5 : memref<1024xi32, #tpu.memory_space<vmem>>) target_semaphore(%run_scoped3A : memref<!tpu.dma_semaphore, #tpu.memory_space<semaphore_mem>>)
          %dma_wait3A_150 = tpu.memref_slice %arg3[%mul3A_13] : memref<1000448xi32, #tpu.memory_space<hbm>> -> memref<1024xi32, #tpu.memory_space<hbm>>
          %dma_wait3A_151 = tpu.memref_slice %arg3[%mul3A_13] : memref<1000448xi32, #tpu.memory_space<hbm>> -> memref<1024xi32, #tpu.memory_space<hbm>>
          tpu.wait_dma2 semaphore(%run_scoped3A : memref<!tpu.dma_semaphore, #tpu.memory_space<semaphore_mem>>) src(%dma_wait3A_151 : memref<1024xi32, #tpu.memory_space<hbm>>) dst(%arg5 : memref<1024xi32, #tpu.memory_space<vmem>>)
          tpu.yield
        }) : () -> ()
        %dma_start3A = arith.constant 0 : i32
        %dma_start3A_14 = arith.constant 0 : i32
        %dma_start3A_15 = tpu.memref_slice %arg6[%dma_start3A, %dma_start3A_14] : memref<1024x64xf32, #tpu.memory_space<vmem>> -> memref<128x64xf32, #tpu.memory_space<vmem>>
        %dma_start3A_16 = arith.constant 0 : i32
        %dma_start3A_17 = tpu.memref_slice %arg5[%dma_start3A_16] : memref<1024xi32, #tpu.memory_space<vmem>> -> memref<128xi32, #tpu.memory_space<vmem>>
        %dma_start3A_18 = arith.constant 0 : i32
        %dma_start3A_19 = arith.constant 0 : i32
        %dma_start3A_20 = tpu.memref_slice %arg2[%dma_start3A_18, %dma_start3A_19] : memref<500000x64xf32, #tpu.memory_space<hbm>> -> memref<500000x64xf32, #tpu.memory_space<hbm>>
        tpu.enqueue_indirect_dma source(%dma_start3A_20 : memref<500000x64xf32, #tpu.memory_space<hbm>>) target(%dma_start3A_15 : memref<128x64xf32, #tpu.memory_space<vmem>>) offsets(%dma_start3A_17 : memref<128xi32, #tpu.memory_space<vmem>>) semaphore(%arg7 : memref<!tpu.dma_semaphore, #tpu.memory_space<semaphore_mem>>)
        %dma_start3A_21 = arith.constant 128 : i32
        %dma_start3A_22 = arith.constant 0 : i32
        %dma_start3A_23 = tpu.memref_slice %arg6[%dma_start3A_21, %dma_start3A_22] : memref<1024x64xf32, #tpu.memory_space<vmem>> -> memref<128x64xf32, #tpu.memory_space<vmem>>
        %dma_start3A_24 = arith.constant 128 : i32
        %dma_start3A_25 = tpu.memref_slice %arg5[%dma_start3A_24] : memref<1024xi32, #tpu.memory_space<vmem>> -> memref<128xi32, #tpu.memory_space<vmem>>
        %dma_start3A_26 = arith.constant 0 : i32
        %dma_start3A_27 = arith.constant 0 : i32
        %dma_start3A_28 = tpu.memref_slice %arg2[%dma_start3A_26, %dma_start3A_27] : memref<500000x64xf32, #tpu.memory_space<hbm>> -> memref<500000x64xf32, #tpu.memory_space<hbm>>
        tpu.enqueue_indirect_dma source(%dma_start3A_28 : memref<500000x64xf32, #tpu.memory_space<hbm>>) target(%dma_start3A_23 : memref<128x64xf32, #tpu.memory_space<vmem>>) offsets(%dma_start3A_25 : memref<128xi32, #tpu.memory_space<vmem>>) semaphore(%arg7 : memref<!tpu.dma_semaphore, #tpu.memory_space<semaphore_mem>>)
        %dma_start3A_29 = arith.constant 256 : i32
        %dma_start3A_30 = arith.constant 0 : i32
        %dma_start3A_31 = tpu.memref_slice %arg6[%dma_start3A_29, %dma_start3A_30] : memref<1024x64xf32, #tpu.memory_space<vmem>> -> memref<128x64xf32, #tpu.memory_space<vmem>>
        %dma_start3A_32 = arith.constant 256 : i32
        %dma_start3A_33 = tpu.memref_slice %arg5[%dma_start3A_32] : memref<1024xi32, #tpu.memory_space<vmem>> -> memref<128xi32, #tpu.memory_space<vmem>>
        %dma_start3A_34 = arith.constant 0 : i32
        %dma_start3A_35 = arith.constant 0 : i32
        %dma_start3A_36 = tpu.memref_slice %arg2[%dma_start3A_34, %dma_start3A_35] : memref<500000x64xf32, #tpu.memory_space<hbm>> -> memref<500000x64xf32, #tpu.memory_space<hbm>>
        tpu.enqueue_indirect_dma source(%dma_start3A_36 : memref<500000x64xf32, #tpu.memory_space<hbm>>) target(%dma_start3A_31 : memref<128x64xf32, #tpu.memory_space<vmem>>) offsets(%dma_start3A_33 : memref<128xi32, #tpu.memory_space<vmem>>) semaphore(%arg7 : memref<!tpu.dma_semaphore, #tpu.memory_space<semaphore_mem>>)
        %dma_start3A_37 = arith.constant 384 : i32
        %dma_start3A_38 = arith.constant 0 : i32
        %dma_start3A_39 = tpu.memref_slice %arg6[%dma_start3A_37, %dma_start3A_38] : memref<1024x64xf32, #tpu.memory_space<vmem>> -> memref<128x64xf32, #tpu.memory_space<vmem>>
        %dma_start3A_40 = arith.constant 384 : i32
        %dma_start3A_41 = tpu.memref_slice %arg5[%dma_start3A_40] : memref<1024xi32, #tpu.memory_space<vmem>> -> memref<128xi32, #tpu.memory_space<vmem>>
        %dma_start3A_42 = arith.constant 0 : i32
        %dma_start3A_43 = arith.constant 0 : i32
        %dma_start3A_44 = tpu.memref_slice %arg2[%dma_start3A_42, %dma_start3A_43] : memref<500000x64xf32, #tpu.memory_space<hbm>> -> memref<500000x64xf32, #tpu.memory_space<hbm>>
        tpu.enqueue_indirect_dma source(%dma_start3A_44 : memref<500000x64xf32, #tpu.memory_space<hbm>>) target(%dma_start3A_39 : memref<128x64xf32, #tpu.memory_space<vmem>>) offsets(%dma_start3A_41 : memref<128xi32, #tpu.memory_space<vmem>>) semaphore(%arg7 : memref<!tpu.dma_semaphore, #tpu.memory_space<semaphore_mem>>)
        %dma_start3A_45 = arith.constant 512 : i32
        %dma_start3A_46 = arith.constant 0 : i32
        %dma_start3A_47 = tpu.memref_slice %arg6[%dma_start3A_45, %dma_start3A_46] : memref<1024x64xf32, #tpu.memory_space<vmem>> -> memref<128x64xf32, #tpu.memory_space<vmem>>
        %dma_start3A_48 = arith.constant 512 : i32
        %dma_start3A_49 = tpu.memref_slice %arg5[%dma_start3A_48] : memref<1024xi32, #tpu.memory_space<vmem>> -> memref<128xi32, #tpu.memory_space<vmem>>
        %dma_start3A_50 = arith.constant 0 : i32
        %dma_start3A_51 = arith.constant 0 : i32
        %dma_start3A_52 = tpu.memref_slice %arg2[%dma_start3A_50, %dma_start3A_51] : memref<500000x64xf32, #tpu.memory_space<hbm>> -> memref<500000x64xf32, #tpu.memory_space<hbm>>
        tpu.enqueue_indirect_dma source(%dma_start3A_52 : memref<500000x64xf32, #tpu.memory_space<hbm>>) target(%dma_start3A_47 : memref<128x64xf32, #tpu.memory_space<vmem>>) offsets(%dma_start3A_49 : memref<128xi32, #tpu.memory_space<vmem>>) semaphore(%arg7 : memref<!tpu.dma_semaphore, #tpu.memory_space<semaphore_mem>>)
        %dma_start3A_53 = arith.constant 640 : i32
        %dma_start3A_54 = arith.constant 0 : i32
        %dma_start3A_55 = tpu.memref_slice %arg6[%dma_start3A_53, %dma_start3A_54] : memref<1024x64xf32, #tpu.memory_space<vmem>> -> memref<128x64xf32, #tpu.memory_space<vmem>>
        %dma_start3A_56 = arith.constant 640 : i32
        %dma_start3A_57 = tpu.memref_slice %arg5[%dma_start3A_56] : memref<1024xi32, #tpu.memory_space<vmem>> -> memref<128xi32, #tpu.memory_space<vmem>>
        %dma_start3A_58 = arith.constant 0 : i32
        %dma_start3A_59 = arith.constant 0 : i32
        %dma_start3A_60 = tpu.memref_slice %arg2[%dma_start3A_58, %dma_start3A_59] : memref<500000x64xf32, #tpu.memory_space<hbm>> -> memref<500000x64xf32, #tpu.memory_space<hbm>>
        tpu.enqueue_indirect_dma source(%dma_start3A_60 : memref<500000x64xf32, #tpu.memory_space<hbm>>) target(%dma_start3A_55 : memref<128x64xf32, #tpu.memory_space<vmem>>) offsets(%dma_start3A_57 : memref<128xi32, #tpu.memory_space<vmem>>) semaphore(%arg7 : memref<!tpu.dma_semaphore, #tpu.memory_space<semaphore_mem>>)
        %dma_start3A_61 = arith.constant 768 : i32
        %dma_start3A_62 = arith.constant 0 : i32
        %dma_start3A_63 = tpu.memref_slice %arg6[%dma_start3A_61, %dma_start3A_62] : memref<1024x64xf32, #tpu.memory_space<vmem>> -> memref<128x64xf32, #tpu.memory_space<vmem>>
        %dma_start3A_64 = arith.constant 768 : i32
        %dma_start3A_65 = tpu.memref_slice %arg5[%dma_start3A_64] : memref<1024xi32, #tpu.memory_space<vmem>> -> memref<128xi32, #tpu.memory_space<vmem>>
        %dma_start3A_66 = arith.constant 0 : i32
        %dma_start3A_67 = arith.constant 0 : i32
        %dma_start3A_68 = tpu.memref_slice %arg2[%dma_start3A_66, %dma_start3A_67] : memref<500000x64xf32, #tpu.memory_space<hbm>> -> memref<500000x64xf32, #tpu.memory_space<hbm>>
        tpu.enqueue_indirect_dma source(%dma_start3A_68 : memref<500000x64xf32, #tpu.memory_space<hbm>>) target(%dma_start3A_63 : memref<128x64xf32, #tpu.memory_space<vmem>>) offsets(%dma_start3A_65 : memref<128xi32, #tpu.memory_space<vmem>>) semaphore(%arg7 : memref<!tpu.dma_semaphore, #tpu.memory_space<semaphore_mem>>)
        %dma_start3A_69 = arith.constant 896 : i32
        %dma_start3A_70 = arith.constant 0 : i32
        %dma_start3A_71 = tpu.memref_slice %arg6[%dma_start3A_69, %dma_start3A_70] : memref<1024x64xf32, #tpu.memory_space<vmem>> -> memref<128x64xf32, #tpu.memory_space<vmem>>
        %dma_start3A_72 = arith.constant 896 : i32
        %dma_start3A_73 = tpu.memref_slice %arg5[%dma_start3A_72] : memref<1024xi32, #tpu.memory_space<vmem>> -> memref<128xi32, #tpu.memory_space<vmem>>
        %dma_start3A_74 = arith.constant 0 : i32
        %dma_start3A_75 = arith.constant 0 : i32
        %dma_start3A_76 = tpu.memref_slice %arg2[%dma_start3A_74, %dma_start3A_75] : memref<500000x64xf32, #tpu.memory_space<hbm>> -> memref<500000x64xf32, #tpu.memory_space<hbm>>
        tpu.enqueue_indirect_dma source(%dma_start3A_76 : memref<500000x64xf32, #tpu.memory_space<hbm>>) target(%dma_start3A_71 : memref<128x64xf32, #tpu.memory_space<vmem>>) offsets(%dma_start3A_73 : memref<128xi32, #tpu.memory_space<vmem>>) semaphore(%arg7 : memref<!tpu.dma_semaphore, #tpu.memory_space<semaphore_mem>>)
        %dma_wait3A = arith.constant 0 : i32
        %dma_wait3A_77 = arith.constant 0 : i32
        %dma_wait3A_78 = tpu.memref_slice %arg6[%dma_wait3A, %dma_wait3A_77] : memref<1024x64xf32, #tpu.memory_space<vmem>> -> memref<128x64xf32, #tpu.memory_space<vmem>>
        %dma_wait3A_79 = arith.constant 0 : i32
        %dma_wait3A_80 = tpu.memref_slice %arg5[%dma_wait3A_79] : memref<1024xi32, #tpu.memory_space<vmem>> -> memref<128xi32, #tpu.memory_space<vmem>>
        %dma_wait3A_81 = arith.constant 0 : i32
        %dma_wait3A_82 = arith.constant 0 : i32
        %dma_wait3A_83 = tpu.memref_slice %arg2[%dma_wait3A_81, %dma_wait3A_82] : memref<500000x64xf32, #tpu.memory_space<hbm>> -> memref<500000x64xf32, #tpu.memory_space<hbm>>
        tpu.wait_indirect_dma semaphore(%arg7 : memref<!tpu.dma_semaphore, #tpu.memory_space<semaphore_mem>>) src(%dma_wait3A_83 : memref<500000x64xf32, #tpu.memory_space<hbm>>) dst(%dma_wait3A_78 : memref<128x64xf32, #tpu.memory_space<vmem>>)
        %dma_wait3A_84 = arith.constant 128 : i32
        %dma_wait3A_85 = arith.constant 0 : i32
        %dma_wait3A_86 = tpu.memref_slice %arg6[%dma_wait3A_84, %dma_wait3A_85] : memref<1024x64xf32, #tpu.memory_space<vmem>> -> memref<128x64xf32, #tpu.memory_space<vmem>>
        %dma_wait3A_87 = arith.constant 128 : i32
        %dma_wait3A_88 = tpu.memref_slice %arg5[%dma_wait3A_87] : memref<1024xi32, #tpu.memory_space<vmem>> -> memref<128xi32, #tpu.memory_space<vmem>>
        %dma_wait3A_89 = arith.constant 0 : i32
        %dma_wait3A_90 = arith.constant 0 : i32
        %dma_wait3A_91 = tpu.memref_slice %arg2[%dma_wait3A_89, %dma_wait3A_90] : memref<500000x64xf32, #tpu.memory_space<hbm>> -> memref<500000x64xf32, #tpu.memory_space<hbm>>
        tpu.wait_indirect_dma semaphore(%arg7 : memref<!tpu.dma_semaphore, #tpu.memory_space<semaphore_mem>>) src(%dma_wait3A_91 : memref<500000x64xf32, #tpu.memory_space<hbm>>) dst(%dma_wait3A_86 : memref<128x64xf32, #tpu.memory_space<vmem>>)
        %dma_wait3A_92 = arith.constant 256 : i32
        %dma_wait3A_93 = arith.constant 0 : i32
        %dma_wait3A_94 = tpu.memref_slice %arg6[%dma_wait3A_92, %dma_wait3A_93] : memref<1024x64xf32, #tpu.memory_space<vmem>> -> memref<128x64xf32, #tpu.memory_space<vmem>>
        %dma_wait3A_95 = arith.constant 256 : i32
        %dma_wait3A_96 = tpu.memref_slice %arg5[%dma_wait3A_95] : memref<1024xi32, #tpu.memory_space<vmem>> -> memref<128xi32, #tpu.memory_space<vmem>>
        %dma_wait3A_97 = arith.constant 0 : i32
        %dma_wait3A_98 = arith.constant 0 : i32
        %dma_wait3A_99 = tpu.memref_slice %arg2[%dma_wait3A_97, %dma_wait3A_98] : memref<500000x64xf32, #tpu.memory_space<hbm>> -> memref<500000x64xf32, #tpu.memory_space<hbm>>
        tpu.wait_indirect_dma semaphore(%arg7 : memref<!tpu.dma_semaphore, #tpu.memory_space<semaphore_mem>>) src(%dma_wait3A_99 : memref<500000x64xf32, #tpu.memory_space<hbm>>) dst(%dma_wait3A_94 : memref<128x64xf32, #tpu.memory_space<vmem>>)
        %dma_wait3A_100 = arith.constant 384 : i32
        %dma_wait3A_101 = arith.constant 0 : i32
        %dma_wait3A_102 = tpu.memref_slice %arg6[%dma_wait3A_100, %dma_wait3A_101] : memref<1024x64xf32, #tpu.memory_space<vmem>> -> memref<128x64xf32, #tpu.memory_space<vmem>>
        %dma_wait3A_103 = arith.constant 384 : i32
        %dma_wait3A_104 = tpu.memref_slice %arg5[%dma_wait3A_103] : memref<1024xi32, #tpu.memory_space<vmem>> -> memref<128xi32, #tpu.memory_space<vmem>>
        %dma_wait3A_105 = arith.constant 0 : i32
        %dma_wait3A_106 = arith.constant 0 : i32
        %dma_wait3A_107 = tpu.memref_slice %arg2[%dma_wait3A_105, %dma_wait3A_106] : memref<500000x64xf32, #tpu.memory_space<hbm>> -> memref<500000x64xf32, #tpu.memory_space<hbm>>
        tpu.wait_indirect_dma semaphore(%arg7 : memref<!tpu.dma_semaphore, #tpu.memory_space<semaphore_mem>>) src(%dma_wait3A_107 : memref<500000x64xf32, #tpu.memory_space<hbm>>) dst(%dma_wait3A_102 : memref<128x64xf32, #tpu.memory_space<vmem>>)
        %dma_wait3A_108 = arith.constant 512 : i32
        %dma_wait3A_109 = arith.constant 0 : i32
        %dma_wait3A_110 = tpu.memref_slice %arg6[%dma_wait3A_108, %dma_wait3A_109] : memref<1024x64xf32, #tpu.memory_space<vmem>> -> memref<128x64xf32, #tpu.memory_space<vmem>>
        %dma_wait3A_111 = arith.constant 512 : i32
        %dma_wait3A_112 = tpu.memref_slice %arg5[%dma_wait3A_111] : memref<1024xi32, #tpu.memory_space<vmem>> -> memref<128xi32, #tpu.memory_space<vmem>>
        %dma_wait3A_113 = arith.constant 0 : i32
        %dma_wait3A_114 = arith.constant 0 : i32
        %dma_wait3A_115 = tpu.memref_slice %arg2[%dma_wait3A_113, %dma_wait3A_114] : memref<500000x64xf32, #tpu.memory_space<hbm>> -> memref<500000x64xf32, #tpu.memory_space<hbm>>
        tpu.wait_indirect_dma semaphore(%arg7 : memref<!tpu.dma_semaphore, #tpu.memory_space<semaphore_mem>>) src(%dma_wait3A_115 : memref<500000x64xf32, #tpu.memory_space<hbm>>) dst(%dma_wait3A_110 : memref<128x64xf32, #tpu.memory_space<vmem>>)
        %dma_wait3A_116 = arith.constant 640 : i32
        %dma_wait3A_117 = arith.constant 0 : i32
        %dma_wait3A_118 = tpu.memref_slice %arg6[%dma_wait3A_116, %dma_wait3A_117] : memref<1024x64xf32, #tpu.memory_space<vmem>> -> memref<128x64xf32, #tpu.memory_space<vmem>>
        %dma_wait3A_119 = arith.constant 640 : i32
        %dma_wait3A_120 = tpu.memref_slice %arg5[%dma_wait3A_119] : memref<1024xi32, #tpu.memory_space<vmem>> -> memref<128xi32, #tpu.memory_space<vmem>>
        %dma_wait3A_121 = arith.constant 0 : i32
        %dma_wait3A_122 = arith.constant 0 : i32
        %dma_wait3A_123 = tpu.memref_slice %arg2[%dma_wait3A_121, %dma_wait3A_122] : memref<500000x64xf32, #tpu.memory_space<hbm>> -> memref<500000x64xf32, #tpu.memory_space<hbm>>
        tpu.wait_indirect_dma semaphore(%arg7 : memref<!tpu.dma_semaphore, #tpu.memory_space<semaphore_mem>>) src(%dma_wait3A_123 : memref<500000x64xf32, #tpu.memory_space<hbm>>) dst(%dma_wait3A_118 : memref<128x64xf32, #tpu.memory_space<vmem>>)
        %dma_wait3A_124 = arith.constant 768 : i32
        %dma_wait3A_125 = arith.constant 0 : i32
        %dma_wait3A_126 = tpu.memref_slice %arg6[%dma_wait3A_124, %dma_wait3A_125] : memref<1024x64xf32, #tpu.memory_space<vmem>> -> memref<128x64xf32, #tpu.memory_space<vmem>>
        %dma_wait3A_127 = arith.constant 768 : i32
        %dma_wait3A_128 = tpu.memref_slice %arg5[%dma_wait3A_127] : memref<1024xi32, #tpu.memory_space<vmem>> -> memref<128xi32, #tpu.memory_space<vmem>>
        %dma_wait3A_129 = arith.constant 0 : i32
        %dma_wait3A_130 = arith.constant 0 : i32
        %dma_wait3A_131 = tpu.memref_slice %arg2[%dma_wait3A_129, %dma_wait3A_130] : memref<500000x64xf32, #tpu.memory_space<hbm>> -> memref<500000x64xf32, #tpu.memory_space<hbm>>
        tpu.wait_indirect_dma semaphore(%arg7 : memref<!tpu.dma_semaphore, #tpu.memory_space<semaphore_mem>>) src(%dma_wait3A_131 : memref<500000x64xf32, #tpu.memory_space<hbm>>) dst(%dma_wait3A_126 : memref<128x64xf32, #tpu.memory_space<vmem>>)
        %dma_wait3A_132 = arith.constant 896 : i32
        %dma_wait3A_133 = arith.constant 0 : i32
        %dma_wait3A_134 = tpu.memref_slice %arg6[%dma_wait3A_132, %dma_wait3A_133] : memref<1024x64xf32, #tpu.memory_space<vmem>> -> memref<128x64xf32, #tpu.memory_space<vmem>>
        %dma_wait3A_135 = arith.constant 896 : i32
        %dma_wait3A_136 = tpu.memref_slice %arg5[%dma_wait3A_135] : memref<1024xi32, #tpu.memory_space<vmem>> -> memref<128xi32, #tpu.memory_space<vmem>>
        %dma_wait3A_137 = arith.constant 0 : i32
        %dma_wait3A_138 = arith.constant 0 : i32
        %dma_wait3A_139 = tpu.memref_slice %arg2[%dma_wait3A_137, %dma_wait3A_138] : memref<500000x64xf32, #tpu.memory_space<hbm>> -> memref<500000x64xf32, #tpu.memory_space<hbm>>
        tpu.wait_indirect_dma semaphore(%arg7 : memref<!tpu.dma_semaphore, #tpu.memory_space<semaphore_mem>>) src(%dma_wait3A_139 : memref<500000x64xf32, #tpu.memory_space<hbm>>) dst(%dma_wait3A_134 : memref<128x64xf32, #tpu.memory_space<vmem>>)
        %ne3A = arith.constant 976 : i32
        %ne3A_140 = arith.cmpi ne, %add3A_9, %ne3A : i32
        %convert_element_type3A_141 = arith.extui %ne3A_140 : i1 to i32
        %cond3A_142 = arith.constant 0 : i32
        %cond3A_143 = arith.cmpi ne, %convert_element_type3A_141, %cond3A_142 : i32
        scf.if %cond3A_143 {
          "tpu.region"() ({
            %run_scoped3A = tpu.sem_alloc : memref<!tpu.dma_semaphore, #tpu.memory_space<semaphore_mem>>
            %dma_start3A_148 = arith.constant 0 : i32
            %dma_start3A_149 = tpu.memref_slice %arg4[%mul3A_13, %dma_start3A_148] : memref<1000000x64xf32, #tpu.memory_space<hbm>> -> memref<1024x64xf32, #tpu.memory_space<hbm>>
            %dma_start3A_150 = arith.constant 0 : i32
            %dma_start3A_151 = tpu.memref_slice %arg4[%mul3A_13, %dma_start3A_150] : memref<1000000x64xf32, #tpu.memory_space<hbm>> -> memref<1024x64xf32, #tpu.memory_space<hbm>>
            tpu.enqueue_dma source(%arg6 : memref<1024x64xf32, #tpu.memory_space<vmem>>) target(%dma_start3A_151 : memref<1024x64xf32, #tpu.memory_space<hbm>>) target_semaphore(%run_scoped3A : memref<!tpu.dma_semaphore, #tpu.memory_space<semaphore_mem>>)
            %dma_wait3A_152 = arith.constant 0 : i32
            %dma_wait3A_153 = tpu.memref_slice %arg4[%mul3A_13, %dma_wait3A_152] : memref<1000000x64xf32, #tpu.memory_space<hbm>> -> memref<1024x64xf32, #tpu.memory_space<hbm>>
            %dma_wait3A_154 = arith.constant 0 : i32
            %dma_wait3A_155 = tpu.memref_slice %arg4[%mul3A_13, %dma_wait3A_154] : memref<1000000x64xf32, #tpu.memory_space<hbm>> -> memref<1024x64xf32, #tpu.memory_space<hbm>>
            tpu.wait_dma2 semaphore(%run_scoped3A : memref<!tpu.dma_semaphore, #tpu.memory_space<semaphore_mem>>) src(%arg6 : memref<1024x64xf32, #tpu.memory_space<vmem>>) dst(%dma_wait3A_155 : memref<1024x64xf32, #tpu.memory_space<hbm>>)
            tpu.yield
          }) : () -> ()
        } else {
        }
        %eq3A = arith.constant 976 : i32
        %eq3A_144 = arith.cmpi eq, %add3A_9, %eq3A : i32
        %convert_element_type3A_145 = arith.extui %eq3A_144 : i1 to i32
        %cond3A_146 = arith.constant 0 : i32
        %cond3A_147 = arith.cmpi ne, %convert_element_type3A_145, %cond3A_146 : i32
        scf.if %cond3A_147 {
          "tpu.region"() ({
            %run_scoped3A = tpu.sem_alloc : memref<!tpu.dma_semaphore, #tpu.memory_space<semaphore_mem>>
            %dma_start3A_148 = arith.constant 0 : i32
            %dma_start3A_149 = arith.constant 0 : i32
            %dma_start3A_150 = tpu.memref_slice %arg6[%dma_start3A_148, %dma_start3A_149] : memref<1024x64xf32, #tpu.memory_space<vmem>> -> memref<576x64xf32, #tpu.memory_space<vmem>>
            %dma_start3A_151 = arith.constant 0 : i32
            %dma_start3A_152 = tpu.memref_slice %arg4[%mul3A_13, %dma_start3A_151] : memref<1000000x64xf32, #tpu.memory_space<hbm>> -> memref<576x64xf32, #tpu.memory_space<hbm>>
            %dma_start3A_153 = arith.constant 0 : i32
            %dma_start3A_154 = tpu.memref_slice %arg4[%mul3A_13, %dma_start3A_153] : memref<1000000x64xf32, #tpu.memory_space<hbm>> -> memref<576x64xf32, #tpu.memory_space<hbm>>
            %dma_start3A_155 = arith.constant 0 : i32
            %dma_start3A_156 = arith.constant 0 : i32
            %dma_start3A_157 = tpu.memref_slice %arg6[%dma_start3A_155, %dma_start3A_156] : memref<1024x64xf32, #tpu.memory_space<vmem>> -> memref<576x64xf32, #tpu.memory_space<vmem>>
            tpu.enqueue_dma source(%dma_start3A_157 : memref<576x64xf32, #tpu.memory_space<vmem>>) target(%dma_start3A_154 : memref<576x64xf32, #tpu.memory_space<hbm>>) target_semaphore(%run_scoped3A : memref<!tpu.dma_semaphore, #tpu.memory_space<semaphore_mem>>)
            %dma_wait3A_158 = arith.constant 0 : i32
            %dma_wait3A_159 = arith.constant 0 : i32
            %dma_wait3A_160 = tpu.memref_slice %arg6[%dma_wait3A_158, %dma_wait3A_159] : memref<1024x64xf32, #tpu.memory_space<vmem>> -> memref<576x64xf32, #tpu.memory_space<vmem>>
            %dma_wait3A_161 = arith.constant 0 : i32
            %dma_wait3A_162 = tpu.memref_slice %arg4[%mul3A_13, %dma_wait3A_161] : memref<1000000x64xf32, #tpu.memory_space<hbm>> -> memref<576x64xf32, #tpu.memory_space<hbm>>
            %dma_wait3A_163 = arith.constant 0 : i32
            %dma_wait3A_164 = tpu.memref_slice %arg4[%mul3A_13, %dma_wait3A_163] : memref<1000000x64xf32, #tpu.memory_space<hbm>> -> memref<576x64xf32, #tpu.memory_space<hbm>>
            %dma_wait3A_165 = arith.constant 0 : i32
            %dma_wait3A_166 = arith.constant 0 : i32
            %dma_wait3A_167 = tpu.memref_slice %arg6[%dma_wait3A_165, %dma_wait3A_166] : memref<1024x64xf32, #tpu.memory_space<vmem>> -> memref<576x64xf32, #tpu.memory_space<vmem>>
            tpu.wait_dma2 semaphore(%run_scoped3A : memref<!tpu.dma_semaphore, #tpu.memory_space<semaphore_mem>>) src(%dma_wait3A_167 : memref<576x64xf32, #tpu.memory_space<vmem>>) dst(%dma_wait3A_164 : memref<576x64xf32, #tpu.memory_space<hbm>>)
            tpu.yield
          }) : () -> ()
        } else {
        }
      } else {
      }
    }
    %scan3A_5 = arith.constant 31 : i32
    return
  }
}

#map = affine_map<(d0, d1) -> (0)>
module attributes {stable_mosaic.version = 14 : i64} {
  func.func @idx_kernel(%arg0: i32, %arg1: i32, %arg2: memref<1000448xi32, #tpu.memory_space<hbm>>, %arg3: memref<1000448xi32, #tpu.memory_space<hbm>>, %arg4: memref<1000448xi32, #tpu.memory_space<hbm>>, %arg5: memref<1000448xi32, #tpu.memory_space<hbm>>, %arg6: memref<3543122xi32, #tpu.memory_space<hbm>>, %arg7: memref<1000448xi32, #tpu.memory_space<hbm>>, %arg8: memref<1024xi32, #tpu.memory_space<vmem>>, %arg9: memref<1024xi32, #tpu.memory_space<vmem>>, %arg10: memref<1024xi32, #tpu.memory_space<vmem>>, %arg11: memref<1024xi32, #tpu.memory_space<vmem>>, %arg12: memref<1024xi32, #tpu.memory_space<vmem>>, %arg13: memref<1024xi32, #tpu.memory_space<vmem>>, %arg14: memref<!tpu.dma_semaphore, #tpu.memory_space<semaphore_mem>>) attributes {dimension_semantics = [#tpu.dimension_semantics<core_parallel>, #tpu.dimension_semantics<subcore_parallel>], iteration_bounds = array<i64: 2, 16>, scalar_prefetch = 0 : i64, scratch_operands = 7 : i64, tpu.core_type = #tpu.core_type<sc_vector_subcore>, window_params = [{transform_indices = #map}, {transform_indices = #map}, {transform_indices = #map}, {transform_indices = #map}, {transform_indices = #map}, {transform_indices = #map}]} {
    %mul3A = arith.constant 2 : i32
    %mul3A_0 = arith.muli %arg1, %mul3A : i32
    %add3A = arith.addi %mul3A_0, %arg0 : i32
    %scan3A = arith.constant 0 : i32
    %scan3A_1 = arith.constant 0 : i32
    %scan3A_2 = arith.constant 31 : i32
    %scan3A_3 = arith.addi %scan3A_1, %scan3A_2 : i32
    %scan3A_4 = arith.constant 1 : i32
    scf.for %scan3A_6 = %scan3A_1 to %scan3A_3 step %scan3A_4  : i32 {
      %mul3A_7 = arith.constant 32 : i32
      %mul3A_8 = arith.muli %scan3A_6, %mul3A_7 : i32
      %add3A_9 = arith.addi %mul3A_8, %add3A : i32
      %lt3A = arith.constant 977 : i32
      %lt3A_10 = arith.cmpi slt, %add3A_9, %lt3A : i32
      %convert_element_type3A = arith.extui %lt3A_10 : i1 to i32
      %cond3A = arith.constant 0 : i32
      %cond3A_11 = arith.cmpi ne, %convert_element_type3A, %cond3A : i32
      scf.if %cond3A_11 {
        %mul3A_12 = arith.constant 1024 : i32
        %mul3A_13 = arith.muli %add3A_9, %mul3A_12 : i32
        "tpu.region"() ({
          %run_scoped3A = tpu.sem_alloc : memref<!tpu.dma_semaphore, #tpu.memory_space<semaphore_mem>>
          %dma_start3A_114 = tpu.memref_slice %arg3[%mul3A_13] : memref<1000448xi32, #tpu.memory_space<hbm>> -> memref<1024xi32, #tpu.memory_space<hbm>>
          %dma_start3A_115 = tpu.memref_slice %arg3[%mul3A_13] : memref<1000448xi32, #tpu.memory_space<hbm>> -> memref<1024xi32, #tpu.memory_space<hbm>>
          tpu.enqueue_dma source(%dma_start3A_115 : memref<1024xi32, #tpu.memory_space<hbm>>) target(%arg8 : memref<1024xi32, #tpu.memory_space<vmem>>) target_semaphore(%run_scoped3A : memref<!tpu.dma_semaphore, #tpu.memory_space<semaphore_mem>>)
          %dma_wait3A_116 = tpu.memref_slice %arg3[%mul3A_13] : memref<1000448xi32, #tpu.memory_space<hbm>> -> memref<1024xi32, #tpu.memory_space<hbm>>
          %dma_wait3A_117 = tpu.memref_slice %arg3[%mul3A_13] : memref<1000448xi32, #tpu.memory_space<hbm>> -> memref<1024xi32, #tpu.memory_space<hbm>>
          tpu.wait_dma2 semaphore(%run_scoped3A : memref<!tpu.dma_semaphore, #tpu.memory_space<semaphore_mem>>) src(%dma_wait3A_117 : memref<1024xi32, #tpu.memory_space<hbm>>) dst(%arg8 : memref<1024xi32, #tpu.memory_space<vmem>>)
          tpu.yield
        }) : () -> ()
        "tpu.region"() ({
          %run_scoped3A = tpu.sem_alloc : memref<!tpu.dma_semaphore, #tpu.memory_space<semaphore_mem>>
          %dma_start3A_114 = tpu.memref_slice %arg4[%mul3A_13] : memref<1000448xi32, #tpu.memory_space<hbm>> -> memref<1024xi32, #tpu.memory_space<hbm>>
          %dma_start3A_115 = tpu.memref_slice %arg4[%mul3A_13] : memref<1000448xi32, #tpu.memory_space<hbm>> -> memref<1024xi32, #tpu.memory_space<hbm>>
          tpu.enqueue_dma source(%dma_start3A_115 : memref<1024xi32, #tpu.memory_space<hbm>>) target(%arg9 : memref<1024xi32, #tpu.memory_space<vmem>>) target_semaphore(%run_scoped3A : memref<!tpu.dma_semaphore, #tpu.memory_space<semaphore_mem>>)
          %dma_wait3A_116 = tpu.memref_slice %arg4[%mul3A_13] : memref<1000448xi32, #tpu.memory_space<hbm>> -> memref<1024xi32, #tpu.memory_space<hbm>>
          %dma_wait3A_117 = tpu.memref_slice %arg4[%mul3A_13] : memref<1000448xi32, #tpu.memory_space<hbm>> -> memref<1024xi32, #tpu.memory_space<hbm>>
          tpu.wait_dma2 semaphore(%run_scoped3A : memref<!tpu.dma_semaphore, #tpu.memory_space<semaphore_mem>>) src(%dma_wait3A_117 : memref<1024xi32, #tpu.memory_space<hbm>>) dst(%arg9 : memref<1024xi32, #tpu.memory_space<vmem>>)
          tpu.yield
        }) : () -> ()
        "tpu.region"() ({
          %run_scoped3A = tpu.sem_alloc : memref<!tpu.dma_semaphore, #tpu.memory_space<semaphore_mem>>
          %dma_start3A_114 = tpu.memref_slice %arg5[%mul3A_13] : memref<1000448xi32, #tpu.memory_space<hbm>> -> memref<1024xi32, #tpu.memory_space<hbm>>
          %dma_start3A_115 = tpu.memref_slice %arg5[%mul3A_13] : memref<1000448xi32, #tpu.memory_space<hbm>> -> memref<1024xi32, #tpu.memory_space<hbm>>
          tpu.enqueue_dma source(%dma_start3A_115 : memref<1024xi32, #tpu.memory_space<hbm>>) target(%arg10 : memref<1024xi32, #tpu.memory_space<vmem>>) target_semaphore(%run_scoped3A : memref<!tpu.dma_semaphore, #tpu.memory_space<semaphore_mem>>)
          %dma_wait3A_116 = tpu.memref_slice %arg5[%mul3A_13] : memref<1000448xi32, #tpu.memory_space<hbm>> -> memref<1024xi32, #tpu.memory_space<hbm>>
          %dma_wait3A_117 = tpu.memref_slice %arg5[%mul3A_13] : memref<1000448xi32, #tpu.memory_space<hbm>> -> memref<1024xi32, #tpu.memory_space<hbm>>
          tpu.wait_dma2 semaphore(%run_scoped3A : memref<!tpu.dma_semaphore, #tpu.memory_space<semaphore_mem>>) src(%dma_wait3A_117 : memref<1024xi32, #tpu.memory_space<hbm>>) dst(%arg10 : memref<1024xi32, #tpu.memory_space<vmem>>)
          tpu.yield
        }) : () -> ()
        "tpu.region"() ({
          %run_scoped3A = tpu.sem_alloc : memref<!tpu.dma_semaphore, #tpu.memory_space<semaphore_mem>>
          %dma_start3A_114 = tpu.memref_slice %arg2[%mul3A_13] : memref<1000448xi32, #tpu.memory_space<hbm>> -> memref<1024xi32, #tpu.memory_space<hbm>>
          %dma_start3A_115 = tpu.memref_slice %arg2[%mul3A_13] : memref<1000448xi32, #tpu.memory_space<hbm>> -> memref<1024xi32, #tpu.memory_space<hbm>>
          tpu.enqueue_dma source(%dma_start3A_115 : memref<1024xi32, #tpu.memory_space<hbm>>) target(%arg11 : memref<1024xi32, #tpu.memory_space<vmem>>) target_semaphore(%run_scoped3A : memref<!tpu.dma_semaphore, #tpu.memory_space<semaphore_mem>>)
          %dma_wait3A_116 = tpu.memref_slice %arg2[%mul3A_13] : memref<1000448xi32, #tpu.memory_space<hbm>> -> memref<1024xi32, #tpu.memory_space<hbm>>
          %dma_wait3A_117 = tpu.memref_slice %arg2[%mul3A_13] : memref<1000448xi32, #tpu.memory_space<hbm>> -> memref<1024xi32, #tpu.memory_space<hbm>>
          tpu.wait_dma2 semaphore(%run_scoped3A : memref<!tpu.dma_semaphore, #tpu.memory_space<semaphore_mem>>) src(%dma_wait3A_117 : memref<1024xi32, #tpu.memory_space<hbm>>) dst(%arg11 : memref<1024xi32, #tpu.memory_space<vmem>>)
          tpu.yield
        }) : () -> ()
        %scan3A_14 = arith.constant 0 : i32
        %scan3A_15 = arith.constant 0 : i32
        %scan3A_16 = arith.constant 64 : i32
        %scan3A_17 = arith.addi %scan3A_15, %scan3A_16 : i32
        %scan3A_18 = arith.constant 1 : i32
        scf.for %scan3A_114 = %scan3A_15 to %scan3A_17 step %scan3A_18  : i32 {
          %mul3A_115 = arith.constant 16 : i32
          %mul3A_116 = arith.muli %scan3A_114, %mul3A_115 : i32
          %get3A = arith.index_cast %mul3A_116 : i32 to index
          %get3A_117 = tpu.vector_load %arg11[%get3A] {strides = array<i32>} : memref<1024xi32, #tpu.memory_space<vmem>>, vector<16xi32>,
          %mul3A_118 = arith.constant 1771561 : i32
          %mul3A_119 = vector.broadcast %mul3A_118 : i32 to vector<16xi32>
          %mul3A_120 = arith.muli %get3A_117, %mul3A_119 : vector<16xi32>
          %get3A_121 = arith.index_cast %mul3A_116 : i32 to index
          %get3A_122 = tpu.vector_load %arg8[%get3A_121] {strides = array<i32>} : memref<1024xi32, #tpu.memory_space<vmem>>, vector<16xi32>,
          %mul3A_123 = arith.constant 14641 : i32
          %mul3A_124 = vector.broadcast %mul3A_123 : i32 to vector<16xi32>
          %mul3A_125 = arith.muli %get3A_122, %mul3A_124 : vector<16xi32>
          %add3A_126 = arith.addi %mul3A_120, %mul3A_125 : vector<16xi32>
          %get3A_127 = arith.index_cast %mul3A_116 : i32 to index
          %get3A_128 = tpu.vector_load %arg9[%get3A_127] {strides = array<i32>} : memref<1024xi32, #tpu.memory_space<vmem>>, vector<16xi32>,
          %mul3A_129 = arith.constant 121 : i32
          %mul3A_130 = vector.broadcast %mul3A_129 : i32 to vector<16xi32>
          %mul3A_131 = arith.muli %get3A_128, %mul3A_130 : vector<16xi32>
          %add3A_132 = arith.addi %add3A_126, %mul3A_131 : vector<16xi32>
          %get3A_133 = arith.index_cast %mul3A_116 : i32 to index
          %get3A_134 = tpu.vector_load %arg10[%get3A_133] {strides = array<i32>} : memref<1024xi32, #tpu.memory_space<vmem>>, vector<16xi32>,
          %add3A_135 = arith.addi %add3A_132, %get3A_134 : vector<16xi32>
          %swap3A = arith.index_cast %mul3A_116 : i32 to index
          %swap3A_136 = tpu.vector_load %arg12[%swap3A] {strides = array<i32>} : memref<1024xi32, #tpu.memory_space<vmem>>, vector<16xi32>,
          tpu.vector_store %arg12[%swap3A], %add3A_135 {strides = array<i32>} : memref<1024xi32, #tpu.memory_space<vmem>>, vector<16xi32>,
        }
        %scan3A_19 = arith.constant 64 : i32
        %dma_start3A = arith.constant 0 : i32
        %dma_start3A_20 = tpu.memref_slice %arg13[%dma_start3A] : memref<1024xi32, #tpu.memory_space<vmem>> -> memref<128xi32, #tpu.memory_space<vmem>>
        %dma_start3A_21 = arith.constant 0 : i32
        %dma_start3A_22 = tpu.memref_slice %arg12[%dma_start3A_21] : memref<1024xi32, #tpu.memory_space<vmem>> -> memref<128xi32, #tpu.memory_space<vmem>>
        %dma_start3A_23 = arith.constant 0 : i32
        %dma_start3A_24 = tpu.memref_slice %arg6[%dma_start3A_23] : memref<3543122xi32, #tpu.memory_space<hbm>> -> memref<3543122xi32, #tpu.memory_space<hbm>>
        tpu.enqueue_indirect_dma source(%dma_start3A_24 : memref<3543122xi32, #tpu.memory_space<hbm>>) target(%dma_start3A_20 : memref<128xi32, #tpu.memory_space<vmem>>) offsets(%dma_start3A_22 : memref<128xi32, #tpu.memory_space<vmem>>) semaphore(%arg14 : memref<!tpu.dma_semaphore, #tpu.memory_space<semaphore_mem>>)
        %dma_start3A_25 = arith.constant 128 : i32
        %dma_start3A_26 = tpu.memref_slice %arg13[%dma_start3A_25] : memref<1024xi32, #tpu.memory_space<vmem>> -> memref<128xi32, #tpu.memory_space<vmem>>
        %dma_start3A_27 = arith.constant 128 : i32
        %dma_start3A_28 = tpu.memref_slice %arg12[%dma_start3A_27] : memref<1024xi32, #tpu.memory_space<vmem>> -> memref<128xi32, #tpu.memory_space<vmem>>
        %dma_start3A_29 = arith.constant 0 : i32
        %dma_start3A_30 = tpu.memref_slice %arg6[%dma_start3A_29] : memref<3543122xi32, #tpu.memory_space<hbm>> -> memref<3543122xi32, #tpu.memory_space<hbm>>
        tpu.enqueue_indirect_dma source(%dma_start3A_30 : memref<3543122xi32, #tpu.memory_space<hbm>>) target(%dma_start3A_26 : memref<128xi32, #tpu.memory_space<vmem>>) offsets(%dma_start3A_28 : memref<128xi32, #tpu.memory_space<vmem>>) semaphore(%arg14 : memref<!tpu.dma_semaphore, #tpu.memory_space<semaphore_mem>>)
        %dma_start3A_31 = arith.constant 256 : i32
        %dma_start3A_32 = tpu.memref_slice %arg13[%dma_start3A_31] : memref<1024xi32, #tpu.memory_space<vmem>> -> memref<128xi32, #tpu.memory_space<vmem>>
        %dma_start3A_33 = arith.constant 256 : i32
        %dma_start3A_34 = tpu.memref_slice %arg12[%dma_start3A_33] : memref<1024xi32, #tpu.memory_space<vmem>> -> memref<128xi32, #tpu.memory_space<vmem>>
        %dma_start3A_35 = arith.constant 0 : i32
        %dma_start3A_36 = tpu.memref_slice %arg6[%dma_start3A_35] : memref<3543122xi32, #tpu.memory_space<hbm>> -> memref<3543122xi32, #tpu.memory_space<hbm>>
        tpu.enqueue_indirect_dma source(%dma_start3A_36 : memref<3543122xi32, #tpu.memory_space<hbm>>) target(%dma_start3A_32 : memref<128xi32, #tpu.memory_space<vmem>>) offsets(%dma_start3A_34 : memref<128xi32, #tpu.memory_space<vmem>>) semaphore(%arg14 : memref<!tpu.dma_semaphore, #tpu.memory_space<semaphore_mem>>)
        %dma_start3A_37 = arith.constant 384 : i32
        %dma_start3A_38 = tpu.memref_slice %arg13[%dma_start3A_37] : memref<1024xi32, #tpu.memory_space<vmem>> -> memref<128xi32, #tpu.memory_space<vmem>>
        %dma_start3A_39 = arith.constant 384 : i32
        %dma_start3A_40 = tpu.memref_slice %arg12[%dma_start3A_39] : memref<1024xi32, #tpu.memory_space<vmem>> -> memref<128xi32, #tpu.memory_space<vmem>>
        %dma_start3A_41 = arith.constant 0 : i32
        %dma_start3A_42 = tpu.memref_slice %arg6[%dma_start3A_41] : memref<3543122xi32, #tpu.memory_space<hbm>> -> memref<3543122xi32, #tpu.memory_space<hbm>>
        tpu.enqueue_indirect_dma source(%dma_start3A_42 : memref<3543122xi32, #tpu.memory_space<hbm>>) target(%dma_start3A_38 : memref<128xi32, #tpu.memory_space<vmem>>) offsets(%dma_start3A_40 : memref<128xi32, #tpu.memory_space<vmem>>) semaphore(%arg14 : memref<!tpu.dma_semaphore, #tpu.memory_space<semaphore_mem>>)
        %dma_start3A_43 = arith.constant 512 : i32
        %dma_start3A_44 = tpu.memref_slice %arg13[%dma_start3A_43] : memref<1024xi32, #tpu.memory_space<vmem>> -> memref<128xi32, #tpu.memory_space<vmem>>
        %dma_start3A_45 = arith.constant 512 : i32
        %dma_start3A_46 = tpu.memref_slice %arg12[%dma_start3A_45] : memref<1024xi32, #tpu.memory_space<vmem>> -> memref<128xi32, #tpu.memory_space<vmem>>
        %dma_start3A_47 = arith.constant 0 : i32
        %dma_start3A_48 = tpu.memref_slice %arg6[%dma_start3A_47] : memref<3543122xi32, #tpu.memory_space<hbm>> -> memref<3543122xi32, #tpu.memory_space<hbm>>
        tpu.enqueue_indirect_dma source(%dma_start3A_48 : memref<3543122xi32, #tpu.memory_space<hbm>>) target(%dma_start3A_44 : memref<128xi32, #tpu.memory_space<vmem>>) offsets(%dma_start3A_46 : memref<128xi32, #tpu.memory_space<vmem>>) semaphore(%arg14 : memref<!tpu.dma_semaphore, #tpu.memory_space<semaphore_mem>>)
        %dma_start3A_49 = arith.constant 640 : i32
        %dma_start3A_50 = tpu.memref_slice %arg13[%dma_start3A_49] : memref<1024xi32, #tpu.memory_space<vmem>> -> memref<128xi32, #tpu.memory_space<vmem>>
        %dma_start3A_51 = arith.constant 640 : i32
        %dma_start3A_52 = tpu.memref_slice %arg12[%dma_start3A_51] : memref<1024xi32, #tpu.memory_space<vmem>> -> memref<128xi32, #tpu.memory_space<vmem>>
        %dma_start3A_53 = arith.constant 0 : i32
        %dma_start3A_54 = tpu.memref_slice %arg6[%dma_start3A_53] : memref<3543122xi32, #tpu.memory_space<hbm>> -> memref<3543122xi32, #tpu.memory_space<hbm>>
        tpu.enqueue_indirect_dma source(%dma_start3A_54 : memref<3543122xi32, #tpu.memory_space<hbm>>) target(%dma_start3A_50 : memref<128xi32, #tpu.memory_space<vmem>>) offsets(%dma_start3A_52 : memref<128xi32, #tpu.memory_space<vmem>>) semaphore(%arg14 : memref<!tpu.dma_semaphore, #tpu.memory_space<semaphore_mem>>)
        %dma_start3A_55 = arith.constant 768 : i32
        %dma_start3A_56 = tpu.memref_slice %arg13[%dma_start3A_55] : memref<1024xi32, #tpu.memory_space<vmem>> -> memref<128xi32, #tpu.memory_space<vmem>>
        %dma_start3A_57 = arith.constant 768 : i32
        %dma_start3A_58 = tpu.memref_slice %arg12[%dma_start3A_57] : memref<1024xi32, #tpu.memory_space<vmem>> -> memref<128xi32, #tpu.memory_space<vmem>>
        %dma_start3A_59 = arith.constant 0 : i32
        %dma_start3A_60 = tpu.memref_slice %arg6[%dma_start3A_59] : memref<3543122xi32, #tpu.memory_space<hbm>> -> memref<3543122xi32, #tpu.memory_space<hbm>>
        tpu.enqueue_indirect_dma source(%dma_start3A_60 : memref<3543122xi32, #tpu.memory_space<hbm>>) target(%dma_start3A_56 : memref<128xi32, #tpu.memory_space<vmem>>) offsets(%dma_start3A_58 : memref<128xi32, #tpu.memory_space<vmem>>) semaphore(%arg14 : memref<!tpu.dma_semaphore, #tpu.memory_space<semaphore_mem>>)
        %dma_start3A_61 = arith.constant 896 : i32
        %dma_start3A_62 = tpu.memref_slice %arg13[%dma_start3A_61] : memref<1024xi32, #tpu.memory_space<vmem>> -> memref<128xi32, #tpu.memory_space<vmem>>
        %dma_start3A_63 = arith.constant 896 : i32
        %dma_start3A_64 = tpu.memref_slice %arg12[%dma_start3A_63] : memref<1024xi32, #tpu.memory_space<vmem>> -> memref<128xi32, #tpu.memory_space<vmem>>
        %dma_start3A_65 = arith.constant 0 : i32
        %dma_start3A_66 = tpu.memref_slice %arg6[%dma_start3A_65] : memref<3543122xi32, #tpu.memory_space<hbm>> -> memref<3543122xi32, #tpu.memory_space<hbm>>
        tpu.enqueue_indirect_dma source(%dma_start3A_66 : memref<3543122xi32, #tpu.memory_space<hbm>>) target(%dma_start3A_62 : memref<128xi32, #tpu.memory_space<vmem>>) offsets(%dma_start3A_64 : memref<128xi32, #tpu.memory_space<vmem>>) semaphore(%arg14 : memref<!tpu.dma_semaphore, #tpu.memory_space<semaphore_mem>>)
        %dma_wait3A = arith.constant 0 : i32
        %dma_wait3A_67 = tpu.memref_slice %arg13[%dma_wait3A] : memref<1024xi32, #tpu.memory_space<vmem>> -> memref<128xi32, #tpu.memory_space<vmem>>
        %dma_wait3A_68 = arith.constant 0 : i32
        %dma_wait3A_69 = tpu.memref_slice %arg12[%dma_wait3A_68] : memref<1024xi32, #tpu.memory_space<vmem>> -> memref<128xi32, #tpu.memory_space<vmem>>
        %dma_wait3A_70 = arith.constant 0 : i32
        %dma_wait3A_71 = tpu.memref_slice %arg6[%dma_wait3A_70] : memref<3543122xi32, #tpu.memory_space<hbm>> -> memref<3543122xi32, #tpu.memory_space<hbm>>
        tpu.wait_indirect_dma semaphore(%arg14 : memref<!tpu.dma_semaphore, #tpu.memory_space<semaphore_mem>>) src(%dma_wait3A_71 : memref<3543122xi32, #tpu.memory_space<hbm>>) dst(%dma_wait3A_67 : memref<128xi32, #tpu.memory_space<vmem>>)
        %dma_wait3A_72 = arith.constant 128 : i32
        %dma_wait3A_73 = tpu.memref_slice %arg13[%dma_wait3A_72] : memref<1024xi32, #tpu.memory_space<vmem>> -> memref<128xi32, #tpu.memory_space<vmem>>
        %dma_wait3A_74 = arith.constant 128 : i32
        %dma_wait3A_75 = tpu.memref_slice %arg12[%dma_wait3A_74] : memref<1024xi32, #tpu.memory_space<vmem>> -> memref<128xi32, #tpu.memory_space<vmem>>
        %dma_wait3A_76 = arith.constant 0 : i32
        %dma_wait3A_77 = tpu.memref_slice %arg6[%dma_wait3A_76] : memref<3543122xi32, #tpu.memory_space<hbm>> -> memref<3543122xi32, #tpu.memory_space<hbm>>
        tpu.wait_indirect_dma semaphore(%arg14 : memref<!tpu.dma_semaphore, #tpu.memory_space<semaphore_mem>>) src(%dma_wait3A_77 : memref<3543122xi32, #tpu.memory_space<hbm>>) dst(%dma_wait3A_73 : memref<128xi32, #tpu.memory_space<vmem>>)
        %dma_wait3A_78 = arith.constant 256 : i32
        %dma_wait3A_79 = tpu.memref_slice %arg13[%dma_wait3A_78] : memref<1024xi32, #tpu.memory_space<vmem>> -> memref<128xi32, #tpu.memory_space<vmem>>
        %dma_wait3A_80 = arith.constant 256 : i32
        %dma_wait3A_81 = tpu.memref_slice %arg12[%dma_wait3A_80] : memref<1024xi32, #tpu.memory_space<vmem>> -> memref<128xi32, #tpu.memory_space<vmem>>
        %dma_wait3A_82 = arith.constant 0 : i32
        %dma_wait3A_83 = tpu.memref_slice %arg6[%dma_wait3A_82] : memref<3543122xi32, #tpu.memory_space<hbm>> -> memref<3543122xi32, #tpu.memory_space<hbm>>
        tpu.wait_indirect_dma semaphore(%arg14 : memref<!tpu.dma_semaphore, #tpu.memory_space<semaphore_mem>>) src(%dma_wait3A_83 : memref<3543122xi32, #tpu.memory_space<hbm>>) dst(%dma_wait3A_79 : memref<128xi32, #tpu.memory_space<vmem>>)
        %dma_wait3A_84 = arith.constant 384 : i32
        %dma_wait3A_85 = tpu.memref_slice %arg13[%dma_wait3A_84] : memref<1024xi32, #tpu.memory_space<vmem>> -> memref<128xi32, #tpu.memory_space<vmem>>
        %dma_wait3A_86 = arith.constant 384 : i32
        %dma_wait3A_87 = tpu.memref_slice %arg12[%dma_wait3A_86] : memref<1024xi32, #tpu.memory_space<vmem>> -> memref<128xi32, #tpu.memory_space<vmem>>
        %dma_wait3A_88 = arith.constant 0 : i32
        %dma_wait3A_89 = tpu.memref_slice %arg6[%dma_wait3A_88] : memref<3543122xi32, #tpu.memory_space<hbm>> -> memref<3543122xi32, #tpu.memory_space<hbm>>
        tpu.wait_indirect_dma semaphore(%arg14 : memref<!tpu.dma_semaphore, #tpu.memory_space<semaphore_mem>>) src(%dma_wait3A_89 : memref<3543122xi32, #tpu.memory_space<hbm>>) dst(%dma_wait3A_85 : memref<128xi32, #tpu.memory_space<vmem>>)
        %dma_wait3A_90 = arith.constant 512 : i32
        %dma_wait3A_91 = tpu.memref_slice %arg13[%dma_wait3A_90] : memref<1024xi32, #tpu.memory_space<vmem>> -> memref<128xi32, #tpu.memory_space<vmem>>
        %dma_wait3A_92 = arith.constant 512 : i32
        %dma_wait3A_93 = tpu.memref_slice %arg12[%dma_wait3A_92] : memref<1024xi32, #tpu.memory_space<vmem>> -> memref<128xi32, #tpu.memory_space<vmem>>
        %dma_wait3A_94 = arith.constant 0 : i32
        %dma_wait3A_95 = tpu.memref_slice %arg6[%dma_wait3A_94] : memref<3543122xi32, #tpu.memory_space<hbm>> -> memref<3543122xi32, #tpu.memory_space<hbm>>
        tpu.wait_indirect_dma semaphore(%arg14 : memref<!tpu.dma_semaphore, #tpu.memory_space<semaphore_mem>>) src(%dma_wait3A_95 : memref<3543122xi32, #tpu.memory_space<hbm>>) dst(%dma_wait3A_91 : memref<128xi32, #tpu.memory_space<vmem>>)
        %dma_wait3A_96 = arith.constant 640 : i32
        %dma_wait3A_97 = tpu.memref_slice %arg13[%dma_wait3A_96] : memref<1024xi32, #tpu.memory_space<vmem>> -> memref<128xi32, #tpu.memory_space<vmem>>
        %dma_wait3A_98 = arith.constant 640 : i32
        %dma_wait3A_99 = tpu.memref_slice %arg12[%dma_wait3A_98] : memref<1024xi32, #tpu.memory_space<vmem>> -> memref<128xi32, #tpu.memory_space<vmem>>
        %dma_wait3A_100 = arith.constant 0 : i32
        %dma_wait3A_101 = tpu.memref_slice %arg6[%dma_wait3A_100] : memref<3543122xi32, #tpu.memory_space<hbm>> -> memref<3543122xi32, #tpu.memory_space<hbm>>
        tpu.wait_indirect_dma semaphore(%arg14 : memref<!tpu.dma_semaphore, #tpu.memory_space<semaphore_mem>>) src(%dma_wait3A_101 : memref<3543122xi32, #tpu.memory_space<hbm>>) dst(%dma_wait3A_97 : memref<128xi32, #tpu.memory_space<vmem>>)
        %dma_wait3A_102 = arith.constant 768 : i32
        %dma_wait3A_103 = tpu.memref_slice %arg13[%dma_wait3A_102] : memref<1024xi32, #tpu.memory_space<vmem>> -> memref<128xi32, #tpu.memory_space<vmem>>
        %dma_wait3A_104 = arith.constant 768 : i32
        %dma_wait3A_105 = tpu.memref_slice %arg12[%dma_wait3A_104] : memref<1024xi32, #tpu.memory_space<vmem>> -> memref<128xi32, #tpu.memory_space<vmem>>
        %dma_wait3A_106 = arith.constant 0 : i32
        %dma_wait3A_107 = tpu.memref_slice %arg6[%dma_wait3A_106] : memref<3543122xi32, #tpu.memory_space<hbm>> -> memref<3543122xi32, #tpu.memory_space<hbm>>
        tpu.wait_indirect_dma semaphore(%arg14 : memref<!tpu.dma_semaphore, #tpu.memory_space<semaphore_mem>>) src(%dma_wait3A_107 : memref<3543122xi32, #tpu.memory_space<hbm>>) dst(%dma_wait3A_103 : memref<128xi32, #tpu.memory_space<vmem>>)
        %dma_wait3A_108 = arith.constant 896 : i32
        %dma_wait3A_109 = tpu.memref_slice %arg13[%dma_wait3A_108] : memref<1024xi32, #tpu.memory_space<vmem>> -> memref<128xi32, #tpu.memory_space<vmem>>
        %dma_wait3A_110 = arith.constant 896 : i32
        %dma_wait3A_111 = tpu.memref_slice %arg12[%dma_wait3A_110] : memref<1024xi32, #tpu.memory_space<vmem>> -> memref<128xi32, #tpu.memory_space<vmem>>
        %dma_wait3A_112 = arith.constant 0 : i32
        %dma_wait3A_113 = tpu.memref_slice %arg6[%dma_wait3A_112] : memref<3543122xi32, #tpu.memory_space<hbm>> -> memref<3543122xi32, #tpu.memory_space<hbm>>
        tpu.wait_indirect_dma semaphore(%arg14 : memref<!tpu.dma_semaphore, #tpu.memory_space<semaphore_mem>>) src(%dma_wait3A_113 : memref<3543122xi32, #tpu.memory_space<hbm>>) dst(%dma_wait3A_109 : memref<128xi32, #tpu.memory_space<vmem>>)
        "tpu.region"() ({
          %run_scoped3A = tpu.sem_alloc : memref<!tpu.dma_semaphore, #tpu.memory_space<semaphore_mem>>
          %dma_start3A_114 = tpu.memref_slice %arg7[%mul3A_13] : memref<1000448xi32, #tpu.memory_space<hbm>> -> memref<1024xi32, #tpu.memory_space<hbm>>
          %dma_start3A_115 = tpu.memref_slice %arg7[%mul3A_13] : memref<1000448xi32, #tpu.memory_space<hbm>> -> memref<1024xi32, #tpu.memory_space<hbm>>
          tpu.enqueue_dma source(%arg13 : memref<1024xi32, #tpu.memory_space<vmem>>) target(%dma_start3A_115 : memref<1024xi32, #tpu.memory_space<hbm>>) target_semaphore(%run_scoped3A : memref<!tpu.dma_semaphore, #tpu.memory_space<semaphore_mem>>)
          %dma_wait3A_116 = tpu.memref_slice %arg7[%mul3A_13] : memref<1000448xi32, #tpu.memory_space<hbm>> -> memref<1024xi32, #tpu.memory_space<hbm>>
          %dma_wait3A_117 = tpu.memref_slice %arg7[%mul3A_13] : memref<1000448xi32, #tpu.memory_space<hbm>> -> memref<1024xi32, #tpu.memory_space<hbm>>
          tpu.wait_dma2 semaphore(%run_scoped3A : memref<!tpu.dma_semaphore, #tpu.memory_space<semaphore_mem>>) src(%arg13 : memref<1024xi32, #tpu.memory_space<vmem>>) dst(%dma_wait3A_117 : memref<1024xi32, #tpu.memory_space<hbm>>)
          tpu.yield
        }) : () -> ()
      } else {
      }
    }
    %scan3A_5 = arith.constant 31 : i32
    return
  }
}

</mosaic_0001>

<sc_bundles>
// kernel: kernel.4.cloned.1.call-start
scs
__scs_entry_jumppad:
0x0: {  	(pc) =	sbr.rel $0x88, $3  }
0x1: {  	(tag) =	ssettag $0x0;
	lr =	simm.s32 $0x1  }
0x2: {  	[smem:$0x3F9D] =	sst lr;
	_ =	strace $0xD0000000  }
0x3: {  	_ = 	snop  }
0x4: {  	_ = 	snop  }
0x5: {  	_ = 	snop  }
0x6: {  	_ = 	snop  }
0x7: {  	_ = 	snop  }
__scs_overlays_trampoline_lowered:
0x8: {  	[smem:$0x3FAC] =	sst s0  }
0x9: {  	[smem:$0x3FAD] =	sst s1  }
0xa: {  	[smem:$0x3FAE] =	sst s2  }
0xb: {  	[smem:$0x3FAF] =	sst s3  }
0xc: {  	[smem:$0x3FB0] =	sst s4  }
0xd: {  	[smem:$0x3FB1] =	sst s5  }
0xe: {  	[smem:$0x3FB2] =	sst s6  }
0xf: {  	[smem:$0x3FB3] =	sst s7  }
0x10: {  	[smem:$0x3FB4] =	sst s8  }
0x11: {  	[smem:$0x3FB5] =	sst s9;
	s0 =	simm.s32 @!p0 $0x0  }
0x12: {  	s1 =	sld [smem:$0x3F9B];
	s0 =	simm.s32 @p0 $0x1  }
0x13: {  	[smem:$0x3FB6] =	sst s0;
	s0 =	simm.s32 @!p1 $0x0  }
0x14: {  	s2 =	sld [smem:$0x3F9A];
	s0 =	simm.s32 @p1 $0x1  }
0x15: {  	[smem:$0x3FB7] =	sst s0;
	s0 =	simm.s32 @!p2 $0x0  }
0x16: {  	s3 =	sld [smem:$0x3FDB];
	s0 =	simm.s32 @p2 $0x1  }
0x17: {  	s4 =	simm.s32 $0x1BF5;
	[smem:$0x3FB9] =	sst s0  }
0x18: {  	s0 =	sld [smem:$0x3F9C];
	_ =	swait.ge [sflag:s4], $0x0  }
0x19: {  	s7 =	sld [smem:$0x3F9D]  }
0x1a: {  	s8 =	sadd.s32 $0xFFFFE003, lr  }
0x1b: {  	s9 =	sadd.s32 $0xFFFFFEF7, lr;
	s5 =	simm.s32 $0xFFFFFFFF;
	p2 =	slt.u32 s8, $0xFFFFF086  }
0x1c: {  	p1 =	slt.u32 s9, $0xF7A;
	s5 =	simm.s32 @!p2 $0x0  }
0x1d: {  	s5 =	simm.s32 @p1 $0x1;
	p0 =	seq.s32 s7, s2  }
0x1e: {  	s7 =	smul.u32 @!p0 $0xF7A, s2;
	p2 =	seq.s32 @!p0 s5, $0x0  }
0x1f: {  	s9 =	smul.u32 $0xF7A, s1;
	s8 =	simm.s32 @!p0 $0x1BF5;
	p2 =	por !p2, p0  }
0x20: {  	[sflag:s8] =	ssyncset.s32 @!p0 $0xFFFFF086;
	s6 =	sadd.s32 @!p0 s3, s7;
	s7 =	simm.s32 @!p0 $0x108  }
0x21: {  	s3 =	sadd.s32 s3, s9;
	s6 =	sadd.s32 @!p0 $0x88, s6;
	s7 =	simm.s32 @p2 $0x1082  }
0x22: {  	[simem:s7], [sflag:s8] =	dma.local @!p0 [hbm:s6], $0xF7A  }
0x23: {  	s9 =	sor.u32 $0xD0000000, s2;
	s6 =	simm.s32 $0x108;
	_ =	swait.ge @!p0 [sflag:s8], $0x0  }
0x24: {  	s3 =	sadd.s32 $0x88, s3;
	s6 =	simm.s32 @!p1 $0x1082;
	[sflag:s4] =	ssyncset.s32 $0xFFFFF086  }
0x25: {  	[simem:s6], [sflag:s4] =	dma.local [hbm:s3], $0xF7A  }
0x26: {  	[smem:$0x3F9D] =	sst s1;
	(tag) =	ssettag s2;
	_ =	strace s9  }
0x27: {  	s1 =	sld [smem:$0x3FAD]  }
0x28: {  	s2 =	sld [smem:$0x3FAE]  }
0x29: {  	s4 =	sld [smem:$0x3FB0]  }
0x2a: {  	p0 =	seq.s32 s5, $0x0;
	s5 =	sld [smem:$0x3FB1]  }
0x2b: {  	s6 =	sld [smem:$0x3FB2]  }
0x2c: {  	s7 =	sld [smem:$0x3FB3]  }
0x2d: {  	s3 =	simm.s32 $0x108;
	s8 =	sld [smem:$0x3FB4]  }
0x2e: {  	s3 =	simm.s32 @!p0 $0x1082;
	s9 =	sld [smem:$0x3FB5]  }
0x2f: {  	lr =	sadd.s32 s0, s3;
	s0 =	sld [smem:$0x3FAC]  }
0x30: {  	s3 =	sld [smem:$0x3FAF]  }
0x31: {  	[smem:$0x3FB8] =	sst s10  }
0x32: {  	s10 =	sld [smem:$0x3FB6];
	_ =	sdelay $0x3  }
0x33: {  	p0 =	seq.s32 s10, $0x1;
	s10 =	sld [smem:$0x3FB8];
	_ =	sdelay $0x3  }
0x34: {  	[smem:$0x3FB8] =	sst s10  }
0x35: {  	s10 =	sld [smem:$0x3FB7];
	_ =	sdelay $0x3  }
0x36: {  	p1 =	seq.s32 s10, $0x1;
	s10 =	sld [smem:$0x3FB8];
	_ =	sdelay $0x3  }
0x37: {  	[smem:$0x3FB8] =	sst s10  }
0x38: {  	s10 =	sld [smem:$0x3FB9]  }
0x39: {  	_ = 	snop;
	(pc) =	sbr.ind lr, $3  }
0x3a: {  	_ = 	snop  }
0x3b: {  	_ = 	snop  }
0x3c: {  	p2 =	seq.s32 s10, $0x1;
	s10 =	sld [smem:$0x3FB8]  }
0x3d: {  	_ =	shalt  }
0x3e: {  	_ =	shalt  }
0x3f: {  	_ =	shalt  }
0x40: {  	_ =	shalt  }
0x41: {  	_ =	shalt  }
0x42: {  	_ =	shalt  }
0x43: {  	_ =	shalt  }
0x44: {  	_ =	shalt  }
0x45: {  	_ =	shalt  }
0x46: {  	_ =	shalt  }
0x47: {  	_ =	shalt  }
0x48: {  	_ =	shalt  }
0x49: {  	_ =	shalt  }
0x4a: {  	_ =	shalt  }
0x4b: {  	_ =	shalt  }
0x4c: {  	_ =	shalt  }
0x4d: {  	_ =	shalt  }
0x4e: {  	_ =	shalt  }
0x4f: {  	_ =	shalt  }
0x50: {  	_ =	shalt  }
0x51: {  	_ =	shalt  }
0x52: {  	_ =	shalt  }
0x53: {  	_ =	shalt  }
0x54: {  	_ =	shalt  }
0x55: {  	_ =	shalt  }
0x56: {  	_ =	shalt  }
0x57: {  	_ =	shalt  }
0x58: {  	_ =	shalt  }
0x59: {  	_ =	shalt  }
0x5a: {  	_ =	shalt  }
0x5b: {  	_ =	shalt  }
0x5c: {  	_ =	shalt  }
0x5d: {  	_ =	shalt  }
0x5e: {  	_ =	shalt  }
0x5f: {  	_ =	shalt  }
0x60: {  	_ =	shalt  }
0x61: {  	_ =	shalt  }
0x62: {  	_ =	shalt  }
0x63: {  	_ =	shalt  }
0x64: {  	_ =	shalt  }
0x65: {  	_ =	shalt  }
0x66: {  	_ =	shalt  }
0x67: {  	_ =	shalt  }
0x68: {  	_ =	shalt  }
0x69: {  	_ =	shalt  }
0x6a: {  	_ =	shalt  }
0x6b: {  	_ =	shalt  }
0x6c: {  	_ =	shalt  }
0x6d: {  	_ =	shalt  }
0x6e: {  	_ =	shalt  }
0x6f: {  	_ =	shalt  }
0x70: {  	_ =	shalt  }
0x71: {  	_ =	shalt  }
0x72: {  	_ =	shalt  }
0x73: {  	_ =	shalt  }
0x74: {  	_ =	shalt  }
0x75: {  	_ =	shalt  }
0x76: {  	_ =	shalt  }
0x77: {  	_ =	shalt  }
0x78: {  	_ =	shalt  }
0x79: {  	_ =	shalt  }
0x7a: {  	_ =	shalt  }
0x7b: {  	_ =	shalt  }
0x7c: {  	_ =	shalt  }
0x7d: {  	_ =	shalt  }
0x7e: {  	_ =	shalt  }
0x7f: {  	_ =	shalt  }
0x80: {  	_ =	shalt  }
0x81: {  	_ =	shalt  }
0x82: {  	_ =	shalt  }
0x83: {  	_ =	shalt  }
0x84: {  	_ =	shalt  }
0x85: {  	_ =	shalt  }
0x86: {  	_ =	shalt  }
0x87: {  	_ =	shalt  }
.Lfunc_end0:
.L_simem_size_0:
called_computation.1_lowered:
.L_overlay_start_0:
0x88: {  	s2 =	sld [smem:$0x3FD9]  }
0x89: {  	s3 =	sld [smem:$0x3FFE];
	_ =	sdelay $0x1  }
0x8a: {  	s1 =	srdreg.scid  }
0x8b: {  	s0 =	sand.u32 $0x1, s1  }
0x8c: {  	s16 =	sshll.u32 s0, $0xA;
	s2 =	sadd.s32 s3, s2  }
0x8d: {  	s2 =	sadd.s32 s2, s16  }
0x8e: {  	[smem:$0x3FC4] =	sst s2  }
0x8f: {  	_ = 	snop  }
0x90: {  	(tm) =	ssettm $0x1  }
0x91: {  	s17 =	sld [smem:$0x3FFB];
	_ =	sdelay $0x3  }
0x92: {  	_ =	strace s17  }
0x93: {  	s2 =	sld [smem:$0x3FFC];
	_ =	sdelay $0x3  }
0x94: {  	_ =	strace s2  }
0x95: {  	s2 =	sld [smem:$0x3FFD];
	_ =	sdelay $0x3  }
0x96: {  	_ =	strace s2  }
0x97: {  	_ =	strace $0x8FFFFFFF  }
0x98: {  	s18 =	sld [smem:$0x3FDB];
	_ =	sdelay $0x1  }
0x99: {  	s19 =	simm.s32 $_scs_section_size  }
0x9a: {  	s4 =	simm.s32 $_size__tile_overlayer_lowered;
	s5 =	simm.s32 $_tile_overlayer_lowered  }
0x9b: {  	s22 =	simm.s32 $0x1BFF;
	s21 =	sshll.u32 s5, $0x1;
	s2 =	sadd.s32 s19, s18  }
0x9c: {  	s6 =	simm.s32 $0x0;
	s20 =	sshll.u32 s4, $0x1;
	s4 =	sadd.s32 s21, s2  }
0x9d: {  	[timem:s6], [sflag:s22] =	dma.local [hbm:s4], s20  }
0x9e: {  	_ =	swait.ge [sflag:s22], s20  }
0x9f: {  	s3 =	ssub.s32 $0x0, s20;
	[sflag:s22] =	ssyncset.done $0x0  }
0xa0: {  	[sflag:s22] =	ssyncadd.s32 s3;
	_ =	sdelay $0x1  }
0xa1: {  	s23 =	simm.s32 $0x1B8B  }
0xa2: {  	_ =	swait.ge [sflag:s23], $0x1  }
0xa3: {  	[sflag:s23] =	ssyncset.done $0x0  }
0xa4: {  	s25 =	simm.s32 $0x1B8E;
	s24 =	sld [smem:$0x3FFE];
	[sflag:s23] =	ssyncadd.s32 $0xFFFFFFFF  }
0xa5: {  	s26 =	simm.s32 $execute0_lowered;
	[smem:$0x3FD2] =	sst s25  }
0xa6: {  	s4 =	sshll.u32 s26, $0x1;
	_ =	strace $0x80000046;
	[dreg:$0x1] =	wrdreg $0xFFFFFFFF  }
0xa7: {  	s28 =	simm.s32 $_size_execute0_lowered;
	s2 =	sadd.s32 s2, s4;
	[dreg:$0x0] =	wrdreg $0x0  }
0xa8: {  	s4 =	sshll.u32 s28, $0x1;
	[dreg:$0x2] =	wrdreg s2  }
0xa9: {  	[dreg:$0x3] =	wrdreg s4  }
0xaa: {  	[dreg:$0x4] =	wrdreg $0xC0  }
0xab: {  	_ =	task [dreg:s6], $0x5FFFF  }
0xac: {  	[dreg:$0x1] =	wrdreg $0xFFFFFFFF  }
0xad: {  	[dreg:$0x0] =	wrdreg $0x60  }
0xae: {  	[dreg:$0x2] =	wrdreg s24  }
0xaf: {  	[dreg:$0x3] =	wrdreg $0x9  }
0xb0: {  	_ =	task.clear_ibuf [dreg:s6], $0x4FFFF;
	_ =	strace $0x90000046  }
0xb1: {  	s29 =	simm.s32 $0x9;
	_ =	strace $0x80000048  }
0xb2: {  	_ =	swait.ge [sflag:s29], $0x1  }
0xb3: {  	[sflag:s29] =	ssyncadd.s32 $0xFFFFFFFF  }
0xb4: {  	_ =	strace $0x90000048  }
0xb5: {  	_ =	sfence  }
0xb6: {  	s30 =	sld [smem:$0x0];
	_ =	sdelay $0x2  }
0xb7: {  	s31 =	sshll.u32 s1, $0xD;
	s1 =	sshrl.u32 s1, $0x2  }
0xb8: {  	s3 =	sand.u32 $0x4000, s31;
	s1 =	sadd.s32 s1, s30  }
0xb9: {  	s0 =	sor.u32 s3, s0;
	s1 =	sshll.u32 s1, $0x11  }
0xba: {  	s0 =	sor.u32 s1, s0  }
0xbb: {  	s0 =	sadd.s32 $0x8F2B, s0  }
0xbc: {  	[sflag:s0] =	ssyncadd.remote.s32 $0x1  }
0xbd: {  	_ =	sfence.sel $0xFFFF  }
0xbe: {  	[dreg:$0x0] =	wrdreg $0xFFFFFFFF;
	(pc) =	sbr.abs _section_cstart, $3  }
0xbf: {  	[dreg:$0x1] =	wrdreg $0xFFFFFFFF  }
0xc0: {  	_ =	task.clear_ibuf [dreg:s6], $0x2FFFF;
	_ =	strace $0x9FFFFFFF  }
0xc1: {  	(tm) =	ssettm $0x7FFFFFFF  }
tec
execute0_lowered:
.L_overlay_start_1:
0x0: {  	(tag) =	ssettag $0x1  }
0x1: {  	s0 =	rddreg [dreg:$0x0];
	s1 =	simm.s32 $0x0;
	s25 =	srdreg.scid  }
0x2: {  	s10 =	stileid.u32;
	s12 =	simm.s32 $0x3;
	s16 =	simm.s32 $0x80  }
0x3: {  	s18 =	simm.s32 $0x1400;
	s20 =	simm.s32 $0x1480;
	s21 =	simm.s32 $0x1100  }
0x4: {  	s22 =	simm.s32 $0x1500;
	s23 =	simm.s32 $0x1180;
	s24 =	simm.s32 $0x1580  }
0x5: {  	s28 =	simm.s32 $0x1280;
	s29 =	simm.s32 $0x1680;
	s30 =	simm.s32 $0x1300  }
0x6: {  	s31 =	simm.s32 $0x1700;
	s11 =	simm.s32 $0x1;
	s14 =	simm.s32 $0x0  }
0x7: {  	[smem:$0x7FF] =	sst s1;
	s2 =	sand.u32 $0x1, s25;
	s3 =	sadd.s32 $0x1000, s0  }
0x8: {  	s4 =	sadd.s32 $0x5CE00, s0;
	s6 =	sadd.s32 $0x3E400, s0;
	s7 =	sadd.s32 $0x1FA00, s0  }
.Ltmp0:
0x9: {  	s8 =	sadd.s32 $0x7B800, s0;
	s1 =	ssub.s32 $0x2, s2;
	(pc) =	sbr.rel .LBB2_1-.Ltmp0, $4  }
0xa: {  	s9 =	sadd.s32 $0xE7C00, s0;
	s10 =	sshll.u32 s10, $0x1;
	s5 =	sshrl.u32 s1, $0x1  }
0xb: {  	s25 =	simm.s32 $0x1200;
	s0 =	simm.s32 $0x1380;
	s1 =	ssub.s32 s1, s5  }
0xc: {  	_ =	strace $0x80000047;
	s5 =	simm.s32 $0x1780;
	s26 =	smax.u32 s1, $0x1  }
0xd: {  	s1 =	simm.s32 $0x2;
	[dreg:$0x2] =	wrdreg s26;
	s26 =	simm.s32 $0x1600  }
.LBB2_7:
0xe: {  	s14 =	rddreg [dreg:$0x3]  }
0xf: {  	s13 =	rddreg [dreg:$0x2];
	s14 =	sadd.s32 $0x1, s14  }
0x10: {  	p0 =	sne.s32 s14, s13  }
.Ltmp1:
0x11: {  	_ = 	snop;
	(pc) =	sbr.rel @!p0 .LBB2_8-.Ltmp1, $1  }
0x12: {  	_ =	sdelay $0x3  }
.LBB2_1:
.Ltmp2:
0x13: {  	(pc) =	sbr.rel .LBB2_2-.Ltmp2, $2  }
0x14: {  	_ =	sdelay $0x2  }
0x15: {  	[dreg:$0x3] =	wrdreg s14;
	s13 =	simm.s32 $0x0  }
.LBB2_6:
0x16: {  	s13 =	sadd.s32 $0x1, s13  }
0x17: {  	p0 =	sne.s32 s13, $0x1F  }
.Ltmp3:
0x18: {  	_ = 	snop;
	(pc) =	sbr.rel @!p0 .LBB2_7-.Ltmp3, $1  }
0x19: {  	_ =	sdelay $0x3  }
.LBB2_2:
0x1a: {  	s14 =	sshll.u32 s13, $0x5  }
0x1b: {  	s14 =	sor.u32 s14, s10  }
0x1c: {  	s14 =	sor.u32 s2, s14  }
0x1d: {  	p0 =	sgt.u32 s14, $0x3D0  }
.Ltmp4:
0x1e: {  	_ = 	snop;
	(pc) =	sbr.rel @p0 .LBB2_6-.Ltmp4, $1  }
0x1f: {  	_ =	sdelay $0x3  }
0x20: {  	s14 =	sshll.u32 s14, $0x7  }
0x21: {  	s17 =	simm.s32 $0x0;
	s15 =	sadd.s32 s4, s14  }
0x22: {  	[tilespmem:s17], [sflag:$0x3] =	stream.linear.gather [hbm4b:s15+s17], $0x400, $0x38;
	[tilespmem:$0x1800] =	vst v63  }
0x23: {  	_ =	swait.ge [sflag:s12], $0x400  }
0x24: {  	[sflag:s12] =	ssyncset.done $0x0  }
0x25: {  	s19 =	simm.s32 $0x400;
	s15 =	sadd.s32 s6, s14;
	[sflag:s12] =	ssyncadd.s32 $0xFFFFFC00  }
0x26: {  	[tilespmem:s19], [sflag:$0x3] =	stream.linear.gather [hbm4b:s15+s17], $0x400, $0x38;
	[tilespmem:$0x1800] =	vst v63  }
0x27: {  	_ =	swait.ge [sflag:s12], $0x400  }
0x28: {  	[sflag:s12] =	ssyncset.done $0x0  }
0x29: {  	s15 =	sadd.s32 s7, s14;
	s19 =	simm.s32 $0x800;
	[sflag:s12] =	ssyncadd.s32 $0xFFFFFC00  }
0x2a: {  	[tilespmem:s19], [sflag:$0x3] =	stream.linear.gather [hbm4b:s15+s17], $0x400, $0x38;
	[tilespmem:$0x1800] =	vst v63  }
0x2b: {  	_ =	swait.ge [sflag:s12], $0x400  }
0x2c: {  	[sflag:s12] =	ssyncset.done $0x0  }
0x2d: {  	s15 =	sadd.s32 s3, s14;
	s19 =	simm.s32 $0xC00;
	[sflag:s12] =	ssyncadd.s32 $0xFFFFFC00  }
0x2e: {  	[tilespmem:s19], [sflag:$0x3] =	stream.linear.gather [hbm4b:s15+s17], $0x400, $0x38;
	[tilespmem:$0x1800] =	vst v63  }
0x2f: {  	_ =	swait.ge [sflag:s12], $0x400  }
0x30: {  	[sflag:s12] =	ssyncset.done $0x0  }
0x31: {  	s15 =	simm.s32 $0x0;
	[sflag:s12] =	ssyncadd.s32 $0xFFFFFC00  }
0x32: {  	v0 =	vld [tilespmem:s15+$0xC00]  }
0x33: {  	v1 =	vld [tilespmem:s15+$0x0]  }
0x34: {  	v2 =	vld [tilespmem:s15+$0x400];
	_ =	sdelay $0x3  }
0x35: {  	s17 =	simm.s32 $0x10;
	v3 =	vld [tilespmem:s15+$0x800];
	v4 =	vmul.u32 $0x1B0829, v0;
	v1 =	vmul.u32 $0x3931, v1  }
0x36: {  	v2 =	vmul.u32 $0x79, v2;
	v0 =	vld [tilespmem:s17+$0xC00]  }
0x37: {  	v4 =	vadd.s32 v4, v1;
	v1 =	vld [tilespmem:s17+$0x0]  }
0x38: {  	v4 =	vadd.s32 v2, v4;
	v2 =	vld [tilespmem:s17+$0x400];
	_ =	sdelay $0x1  }
0x39: {  	s19 =	simm.s32 $0x80;
	v3 =	vadd.s32 v3, v4  }
.LBB2_4:
0x3a: {  	v4 =	vld [tilespmem:s17+$0x800];
	[tilespmem:s15+$0x1000] =	vst v3;
	s15 =	smov.u32 s17;
	s17 =	sshra.s32 s19, $0x2;
	p0 =	sne.s32 s19, $0xFC0  }
.Ltmp5:
0x3b: {  	s19 =	sadd.s32 $0x40, s19;
	v3 =	vmul.u32 $0x1B0829, v0;
	v0 =	vld [tilespmem:s17+$0xC00];
	v5 =	vmul.u32 $0x3931, v1;
	(pc) =	sbr.rel @p0 .LBB2_4-.Ltmp5, $4  }
0x3c: {  	v1 =	vld [tilespmem:s17+$0x0];
	v6 =	vmul.u32 $0x79, v2  }
0x3d: {  	v2 =	vld [tilespmem:s17+$0x400];
	v3 =	vadd.s32 v3, v5  }
0x3e: {  	v3 =	vadd.s32 v6, v3  }
0x3f: {  	v3 =	vadd.s32 v4, v3  }
0x40: {  	v4 =	vld [tilespmem:s17+$0x800]  }
0x41: {  	v0 =	vmul.u32 $0x1B0829, v0;
	v1 =	vmul.u32 $0x3931, v1  }
0x42: {  	v2 =	vmul.u32 $0x79, v2  }
0x43: {  	v0 =	vadd.s32 v0, v1  }
0x44: {  	v0 =	vadd.s32 v2, v0  }
0x45: {  	[tilespmem:s15+$0x1000] =	vst v3;
	v0 =	vadd.s32 v4, v0  }
0x46: {  	s19 =	simm.s32 $0x1000;
	[tilespmem:s17+$0x1000] =	vst v0  }
0x47: {  	[tilespmem:s18], [sflag:$0x1] =	stream.indirect.gather [hbm4b:s8+s16], $0x1, s19, s16, $0xb8;
	[tilespmem:$0x1800] =	vst v63  }
0x48: {  	s17 =	simm.s32 $0x1080  }
0x49: {  	[tilespmem:s20], [sflag:$0x1] =	stream.indirect.gather [hbm4b:s8+s16], $0x1, s17, s16, $0xb8;
	[tilespmem:$0x1800] =	vst v63  }
0x4a: {  	_ = 	snop  }
0x4b: {  	[tilespmem:s22], [sflag:$0x1] =	stream.indirect.gather [hbm4b:s8+s16], $0x1, s21, s16, $0xb8;
	[tilespmem:$0x1800] =	vst v63  }
0x4c: {  	_ = 	snop  }
0x4d: {  	[tilespmem:s24], [sflag:$0x1] =	stream.indirect.gather [hbm4b:s8+s16], $0x1, s23, s16, $0xb8;
	[tilespmem:$0x1800] =	vst v63  }
0x4e: {  	_ = 	snop  }
0x4f: {  	[tilespmem:s26], [sflag:$0x1] =	stream.indirect.gather [hbm4b:s8+s16], $0x1, s25, s16, $0xb8;
	[tilespmem:$0x1800] =	vst v63  }
0x50: {  	_ = 	snop  }
0x51: {  	[tilespmem:s29], [sflag:$0x1] =	stream.indirect.gather [hbm4b:s8+s16], $0x1, s28, s16, $0xb8;
	[tilespmem:$0x1800] =	vst v63  }
0x52: {  	_ = 	snop  }
0x53: {  	[tilespmem:s31], [sflag:$0x1] =	stream.indirect.gather [hbm4b:s8+s16], $0x1, s30, s16, $0xb8;
	[tilespmem:$0x1800] =	vst v63  }
0x54: {  	_ = 	snop  }
0x55: {  	[tilespmem:s5], [sflag:$0x1] =	stream.indirect.gather [hbm4b:s8+s16], $0x1, s0, s16, $0xb8;
	[tilespmem:$0x1800] =	vst v63  }
0x56: {  	_ =	swait.ge [sflag:s11], $0x80  }
0x57: {  	[sflag:s11] =	ssyncset.done $0x0  }
0x58: {  	[sflag:s11] =	ssyncadd.s32 $0xFFFFFF80  }
0x59: {  	_ =	swait.ge [sflag:s11], $0x80  }
0x5a: {  	[sflag:s11] =	ssyncset.done $0x0  }
0x5b: {  	[sflag:s11] =	ssyncadd.s32 $0xFFFFFF80  }
0x5c: {  	_ =	swait.ge [sflag:s11], $0x80  }
0x5d: {  	[sflag:s11] =	ssyncset.done $0x0  }
0x5e: {  	[sflag:s11] =	ssyncadd.s32 $0xFFFFFF80  }
0x5f: {  	_ =	swait.ge [sflag:s11], $0x80  }
0x60: {  	[sflag:s11] =	ssyncset.done $0x0  }
0x61: {  	[sflag:s11] =	ssyncadd.s32 $0xFFFFFF80  }
0x62: {  	_ =	swait.ge [sflag:s11], $0x80  }
0x63: {  	[sflag:s11] =	ssyncset.done $0x0  }
0x64: {  	[sflag:s11] =	ssyncadd.s32 $0xFFFFFF80  }
0x65: {  	_ =	swait.ge [sflag:s11], $0x80  }
0x66: {  	[sflag:s11] =	ssyncset.done $0x0  }
0x67: {  	[sflag:s11] =	ssyncadd.s32 $0xFFFFFF80  }
0x68: {  	_ =	swait.ge [sflag:s11], $0x80  }
0x69: {  	[sflag:s11] =	ssyncset.done $0x0  }
0x6a: {  	[sflag:s11] =	ssyncadd.s32 $0xFFFFFF80  }
0x6b: {  	_ =	swait.ge [sflag:s11], $0x80  }
0x6c: {  	s14 =	sadd.s32 s9, s14;
	[sflag:s11] =	ssyncset.done $0x0  }
.Ltmp6:
0x6d: {  	s19 =	simm.s32 $0x0;
	[sflag:s11] =	ssyncadd.s32 $0xFFFFFF80;
	(pc) =	sbr.rel .LBB2_6-.Ltmp6, $4  }
0x6e: {  	[hbm4b:s14+s19] =	stream.linear.scatter [tilespmem:s18], [sflag:$0x2], $0x400, $0x38;
	[tilespmem:$0x1800] =	vst v63  }
0x6f: {  	_ =	swait.ge [sflag:s1], $0x400  }
0x70: {  	[sflag:s1] =	ssyncset.done $0x0  }
0x71: {  	[sflag:s1] =	ssyncadd.s32 $0xFFFFFC00  }
.LBB2_8:
0x72: {  	_ =	sfence.sel $0x180000  }
0x73: {  	[bflag:$0x0] =	sbarrier.arrive $0xFFFF  }
0x74: {  	_ =	strace $0x90000047  }
0x75: {  	s0 =	stileid.u32;
	[bflag:$0x2] =	sbarrier.arrive $0xFFFF  }
0x76: {  	p0 =	sne.s32 s0, $0x0;
	s0 =	rddreg [dreg:$0x1]  }
0x77: {  	s0 =	sadd.s32 @!p0 $0x100000, s0  }
0x78: {  	[sflag:s0] =	ssyncadd.tile.s32 @!p0 $0x1;
	_ =	shalt  }
.Lfunc_end2:
_tile_overlayer_lowered:
.L_overlay_start_2:
0x79: {  	(tag) =	ssettag $0x2  }
0x7a: {  	s0 =	rddreg [dreg:$0x0];
	s2 =	stileid.u32  }
0x7b: {  	s1 =	rddreg [dreg:$0x1];
	p0 =	sne.s32 s2, $0x0  }
0x7c: {  	s3 =	rddreg [dreg:$0x2];
	[bflag:$0x3] =	sbarrier.arrive $0xFFFF;
	s2 =	simm.s32 @!p0 $0x1C02  }
0x7d: {  	[timem:s3], [sflag:s2] =	dma.local @!p0 [hbm:s0], s1  }
0x7e: {  	s0 =	simm.s32 @!p0 $0x2  }
0x7f: {  	_ =	swait.ge @!p0 [sflag:s0], s1  }
0x80: {  	s1 =	ssub.s32 @!p0 $0x0, s1;
	[sflag:s0] =	ssyncset.done @!p0 $0x0  }
0x81: {  	[sflag:s0] =	ssyncadd.s32 @!p0 s1  }
0x82: {  	[bflag:$0x3] =	sbarrier.arrive $0xFFFF  }
0x83: {  	_ =	shalt  }

// kernel: kernel.7.cloned.1.call-start
scs
__scs_entry_jumppad:
0x0: {  	(pc) =	sbr.rel $0x88, $3  }
0x1: {  	(tag) =	ssettag $0x0;
	lr =	simm.s32 $0x1  }
0x2: {  	[smem:$0x3F9D] =	sst lr;
	_ =	strace $0xD0000000  }
0x3: {  	_ = 	snop  }
0x4: {  	_ = 	snop  }
0x5: {  	_ = 	snop  }
0x6: {  	_ = 	snop  }
0x7: {  	_ = 	snop  }
__scs_overlays_trampoline_lowered:
0x8: {  	[smem:$0x3FAC] =	sst s0  }
0x9: {  	[smem:$0x3FAD] =	sst s1  }
0xa: {  	[smem:$0x3FAE] =	sst s2  }
0xb: {  	[smem:$0x3FAF] =	sst s3  }
0xc: {  	[smem:$0x3FB0] =	sst s4  }
0xd: {  	[smem:$0x3FB1] =	sst s5  }
0xe: {  	[smem:$0x3FB2] =	sst s6  }
0xf: {  	[smem:$0x3FB3] =	sst s7  }
0x10: {  	[smem:$0x3FB4] =	sst s8  }
0x11: {  	[smem:$0x3FB5] =	sst s9;
	s0 =	simm.s32 @!p0 $0x0  }
0x12: {  	s1 =	sld [smem:$0x3F9B];
	s0 =	simm.s32 @p0 $0x1  }
0x13: {  	[smem:$0x3FB6] =	sst s0;
	s0 =	simm.s32 @!p1 $0x0  }
0x14: {  	s2 =	sld [smem:$0x3F9A];
	s0 =	simm.s32 @p1 $0x1  }
0x15: {  	[smem:$0x3FB7] =	sst s0;
	s0 =	simm.s32 @!p2 $0x0  }
0x16: {  	s3 =	sld [smem:$0x3FDB];
	s0 =	simm.s32 @p2 $0x1  }
0x17: {  	s4 =	simm.s32 $0x1BF5;
	[smem:$0x3FB9] =	sst s0  }
0x18: {  	s0 =	sld [smem:$0x3F9C];
	_ =	swait.ge [sflag:s4], $0x0  }
0x19: {  	s7 =	sld [smem:$0x3F9D]  }
0x1a: {  	s8 =	sadd.s32 $0xFFFFE003, lr  }
0x1b: {  	s9 =	sadd.s32 $0xFFFFFEF7, lr;
	s5 =	simm.s32 $0xFFFFFFFF;
	p2 =	slt.u32 s8, $0xFFFFF086  }
0x1c: {  	p1 =	slt.u32 s9, $0xF7A;
	s5 =	simm.s32 @!p2 $0x0  }
0x1d: {  	s5 =	simm.s32 @p1 $0x1;
	p0 =	seq.s32 s7, s2  }
0x1e: {  	s7 =	smul.u32 @!p0 $0xF7A, s2;
	p2 =	seq.s32 @!p0 s5, $0x0  }
0x1f: {  	s9 =	smul.u32 $0xF7A, s1;
	s8 =	simm.s32 @!p0 $0x1BF5;
	p2 =	por !p2, p0  }
0x20: {  	[sflag:s8] =	ssyncset.s32 @!p0 $0xFFFFF086;
	s6 =	sadd.s32 @!p0 s3, s7;
	s7 =	simm.s32 @!p0 $0x108  }
0x21: {  	s3 =	sadd.s32 s3, s9;
	s6 =	sadd.s32 @!p0 $0x88, s6;
	s7 =	simm.s32 @p2 $0x1082  }
0x22: {  	[simem:s7], [sflag:s8] =	dma.local @!p0 [hbm:s6], $0xF7A  }
0x23: {  	s9 =	sor.u32 $0xD0000000, s2;
	s6 =	simm.s32 $0x108;
	_ =	swait.ge @!p0 [sflag:s8], $0x0  }
0x24: {  	s3 =	sadd.s32 $0x88, s3;
	s6 =	simm.s32 @!p1 $0x1082;
	[sflag:s4] =	ssyncset.s32 $0xFFFFF086  }
0x25: {  	[simem:s6], [sflag:s4] =	dma.local [hbm:s3], $0xF7A  }
0x26: {  	[smem:$0x3F9D] =	sst s1;
	(tag) =	ssettag s2;
	_ =	strace s9  }
0x27: {  	s1 =	sld [smem:$0x3FAD]  }
0x28: {  	s2 =	sld [smem:$0x3FAE]  }
0x29: {  	s4 =	sld [smem:$0x3FB0]  }
0x2a: {  	p0 =	seq.s32 s5, $0x0;
	s5 =	sld [smem:$0x3FB1]  }
0x2b: {  	s6 =	sld [smem:$0x3FB2]  }
0x2c: {  	s7 =	sld [smem:$0x3FB3]  }
0x2d: {  	s3 =	simm.s32 $0x108;
	s8 =	sld [smem:$0x3FB4]  }
0x2e: {  	s3 =	simm.s32 @!p0 $0x1082;
	s9 =	sld [smem:$0x3FB5]  }
0x2f: {  	lr =	sadd.s32 s0, s3;
	s0 =	sld [smem:$0x3FAC]  }
0x30: {  	s3 =	sld [smem:$0x3FAF]  }
0x31: {  	[smem:$0x3FB8] =	sst s10  }
0x32: {  	s10 =	sld [smem:$0x3FB6];
	_ =	sdelay $0x3  }
0x33: {  	p0 =	seq.s32 s10, $0x1;
	s10 =	sld [smem:$0x3FB8];
	_ =	sdelay $0x3  }
0x34: {  	[smem:$0x3FB8] =	sst s10  }
0x35: {  	s10 =	sld [smem:$0x3FB7];
	_ =	sdelay $0x3  }
0x36: {  	p1 =	seq.s32 s10, $0x1;
	s10 =	sld [smem:$0x3FB8];
	_ =	sdelay $0x3  }
0x37: {  	[smem:$0x3FB8] =	sst s10  }
0x38: {  	s10 =	sld [smem:$0x3FB9]  }
0x39: {  	_ = 	snop;
	(pc) =	sbr.ind lr, $3  }
0x3a: {  	_ = 	snop  }
0x3b: {  	_ = 	snop  }
0x3c: {  	p2 =	seq.s32 s10, $0x1;
	s10 =	sld [smem:$0x3FB8]  }
0x3d: {  	_ =	shalt  }
0x3e: {  	_ =	shalt  }
0x3f: {  	_ =	shalt  }
0x40: {  	_ =	shalt  }
0x41: {  	_ =	shalt  }
0x42: {  	_ =	shalt  }
0x43: {  	_ =	shalt  }
0x44: {  	_ =	shalt  }
0x45: {  	_ =	shalt  }
0x46: {  	_ =	shalt  }
0x47: {  	_ =	shalt  }
0x48: {  	_ =	shalt  }
0x49: {  	_ =	shalt  }
0x4a: {  	_ =	shalt  }
0x4b: {  	_ =	shalt  }
0x4c: {  	_ =	shalt  }
0x4d: {  	_ =	shalt  }
0x4e: {  	_ =	shalt  }
0x4f: {  	_ =	shalt  }
0x50: {  	_ =	shalt  }
0x51: {  	_ =	shalt  }
0x52: {  	_ =	shalt  }
0x53: {  	_ =	shalt  }
0x54: {  	_ =	shalt  }
0x55: {  	_ =	shalt  }
0x56: {  	_ =	shalt  }
0x57: {  	_ =	shalt  }
0x58: {  	_ =	shalt  }
0x59: {  	_ =	shalt  }
0x5a: {  	_ =	shalt  }
0x5b: {  	_ =	shalt  }
0x5c: {  	_ =	shalt  }
0x5d: {  	_ =	shalt  }
0x5e: {  	_ =	shalt  }
0x5f: {  	_ =	shalt  }
0x60: {  	_ =	shalt  }
0x61: {  	_ =	shalt  }
0x62: {  	_ =	shalt  }
0x63: {  	_ =	shalt  }
0x64: {  	_ =	shalt  }
0x65: {  	_ =	shalt  }
0x66: {  	_ =	shalt  }
0x67: {  	_ =	shalt  }
0x68: {  	_ =	shalt  }
0x69: {  	_ =	shalt  }
0x6a: {  	_ =	shalt  }
0x6b: {  	_ =	shalt  }
0x6c: {  	_ =	shalt  }
0x6d: {  	_ =	shalt  }
0x6e: {  	_ =	shalt  }
0x6f: {  	_ =	shalt  }
0x70: {  	_ =	shalt  }
0x71: {  	_ =	shalt  }
0x72: {  	_ =	shalt  }
0x73: {  	_ =	shalt  }
0x74: {  	_ =	shalt  }
0x75: {  	_ =	shalt  }
0x76: {  	_ =	shalt  }
0x77: {  	_ =	shalt  }
0x78: {  	_ =	shalt  }
0x79: {  	_ =	shalt  }
0x7a: {  	_ =	shalt  }
0x7b: {  	_ =	shalt  }
0x7c: {  	_ =	shalt  }
0x7d: {  	_ =	shalt  }
0x7e: {  	_ =	shalt  }
0x7f: {  	_ =	shalt  }
0x80: {  	_ =	shalt  }
0x81: {  	_ =	shalt  }
0x82: {  	_ =	shalt  }
0x83: {  	_ =	shalt  }
0x84: {  	_ =	shalt  }
0x85: {  	_ =	shalt  }
0x86: {  	_ =	shalt  }
0x87: {  	_ =	shalt  }
.Lfunc_end0:
.L_simem_size_0:
called_computation.2_lowered:
.L_overlay_start_0:
0x88: {  	s2 =	sld [smem:$0x3FD9]  }
0x89: {  	s3 =	sld [smem:$0x3FFE];
	_ =	sdelay $0x1  }
0x8a: {  	s1 =	srdreg.scid  }
0x8b: {  	s0 =	sand.u32 $0x1, s1  }
0x8c: {  	s17 =	sshll.u32 s0, $0xA;
	s2 =	sadd.s32 s3, s2  }
0x8d: {  	s2 =	sadd.s32 s2, s17  }
0x8e: {  	[smem:$0x3FC4] =	sst s2  }
0x8f: {  	_ = 	snop  }
0x90: {  	s2 =	sld [smem:$0x3FD0];
	(tm) =	ssettm $0x1  }
0x91: {  	s18 =	sld [smem:$0x3FFB];
	_ =	sdelay $0x3  }
0x92: {  	_ =	strace s18  }
0x93: {  	s3 =	sld [smem:$0x3FFC];
	_ =	sdelay $0x3  }
0x94: {  	_ =	strace s3  }
0x95: {  	s3 =	sld [smem:$0x3FFD];
	_ =	sdelay $0x3  }
0x96: {  	_ =	strace s3  }
0x97: {  	_ =	strace $0x8FFFFFFF  }
0x98: {  	s19 =	sld [smem:$0x3FDB];
	_ =	sdelay $0x1  }
0x99: {  	s4 =	simm.s32 $_scs_section_size  }
0x9a: {  	s5 =	simm.s32 $_size__tile_overlayer_lowered;
	s6 =	simm.s32 $_tile_overlayer_lowered  }
0x9b: {  	s22 =	simm.s32 $0x1BFF;
	s21 =	sshll.u32 s6, $0x1;
	s3 =	sadd.s32 s4, s19  }
0x9c: {  	s7 =	simm.s32 $0x0;
	s20 =	sshll.u32 s5, $0x1;
	s5 =	sadd.s32 s21, s3  }
0x9d: {  	[timem:s7], [sflag:s22] =	dma.local [hbm:s5], s20  }
0x9e: {  	_ =	swait.ge [sflag:s22], s20  }
0x9f: {  	s4 =	ssub.s32 $0x0, s20;
	[sflag:s22] =	ssyncset.done $0x0  }
0xa0: {  	[sflag:s22] =	ssyncadd.s32 s4;
	_ =	sdelay $0x1  }
0xa1: {  	s23 =	simm.s32 $0x1B8B  }
0xa2: {  	_ =	swait.ge [sflag:s23], $0x1  }
0xa3: {  	[sflag:s23] =	ssyncset.done $0x0  }
0xa4: {  	s25 =	simm.s32 $0x1B8E;
	s24 =	sld [smem:$0x3FFE];
	[sflag:s23] =	ssyncadd.s32 $0xFFFFFFFF  }
0xa5: {  	s26 =	simm.s32 $execute0_lowered;
	[smem:$0x3FD2] =	sst s25  }
0xa6: {  	s5 =	sshll.u32 s26, $0x1;
	_ =	strace $0x80000049;
	[dreg:$0x1] =	wrdreg $0xFFFFFFFF  }
0xa7: {  	s28 =	simm.s32 $_size_execute0_lowered;
	s3 =	sadd.s32 s3, s5;
	[dreg:$0x0] =	wrdreg $0x0  }
0xa8: {  	s5 =	sshll.u32 s28, $0x1;
	[dreg:$0x2] =	wrdreg s3  }
0xa9: {  	[dreg:$0x3] =	wrdreg s5  }
0xaa: {  	[dreg:$0x4] =	wrdreg $0xC0  }
0xab: {  	_ =	task [dreg:s7], $0x5FFFF  }
0xac: {  	[dreg:$0x1] =	wrdreg $0xFFFFFFFF  }
0xad: {  	[dreg:$0x0] =	wrdreg $0x60  }
0xae: {  	[dreg:$0x2] =	wrdreg s24  }
0xaf: {  	[dreg:$0x3] =	wrdreg s2  }
0xb0: {  	[dreg:$0x4] =	wrdreg $0x9  }
0xb1: {  	_ =	task.clear_ibuf [dreg:s7], $0x5FFFF;
	_ =	strace $0x90000049  }
0xb2: {  	s29 =	simm.s32 $0x9;
	_ =	strace $0x8000004B  }
0xb3: {  	_ =	swait.ge [sflag:s29], $0x1  }
0xb4: {  	[sflag:s29] =	ssyncadd.s32 $0xFFFFFFFF  }
0xb5: {  	_ =	strace $0x9000004B  }
0xb6: {  	_ =	sfence  }
0xb7: {  	s30 =	sld [smem:$0x0];
	_ =	sdelay $0x2  }
0xb8: {  	s31 =	sshll.u32 s1, $0xD;
	s1 =	sshrl.u32 s1, $0x2  }
0xb9: {  	s3 =	sand.u32 $0x4000, s31;
	s1 =	sadd.s32 s1, s30  }
0xba: {  	s0 =	sor.u32 s3, s0;
	s1 =	sshll.u32 s1, $0x11  }
0xbb: {  	s0 =	sor.u32 s1, s0  }
0xbc: {  	s0 =	sadd.s32 $0x8F2B, s0  }
0xbd: {  	[sflag:s0] =	ssyncadd.remote.s32 $0x1  }
0xbe: {  	_ =	sfence.sel $0xFFFF  }
0xbf: {  	[dreg:$0x0] =	wrdreg $0xFFFFFFFF;
	(pc) =	sbr.abs _section_cstart, $3  }
0xc0: {  	[dreg:$0x1] =	wrdreg $0xFFFFFFFF  }
0xc1: {  	_ =	task.clear_ibuf [dreg:s7], $0x2FFFF;
	_ =	strace $0x9FFFFFFF  }
0xc2: {  	(tm) =	ssettm $0x7FFFFFFF  }
0xc3: {  	_ =	shalt  }
tec
execute0_lowered:
.L_overlay_start_1:
0x0: {  	(tag) =	ssettag $0x1  }
0x1: {  	s4 =	rddreg [dreg:$0x0]  }
0x2: {  	s5 =	rddreg [dreg:$0x1];
	s1 =	srdreg.scid;
	s2 =	simm.s32 $0x0  }
0x3: {  	s0 =	stileid.u32;
	s14 =	simm.s32 $0x100;
	s15 =	simm.s32 $0x4400  }
0x4: {  	s16 =	simm.s32 $0x180;
	s17 =	simm.s32 $0x6400;
	s18 =	simm.s32 $0x200  }
0x5: {  	s19 =	simm.s32 $0x8400;
	s20 =	simm.s32 $0x280;
	s21 =	simm.s32 $0xA400  }
0x6: {  	s22 =	simm.s32 $0x300;
	s23 =	simm.s32 $0xC400;
	s24 =	simm.s32 $0x380  }
0x7: {  	s25 =	simm.s32 $0xE400;
	s26 =	simm.s32 $0x1;
	s28 =	simm.s32 $0x0  }
0x8: {  	s9 =	sand.u32 $0x1, s1;
	[smem:$0x7FF] =	sst s2;
	s7 =	sshll.u32 s0, $0x8  }
0x9: {  	s3 =	sadd.s32 $0x106600, s4;
	s10 =	sshll.u32 s0, $0x1;
	s30 =	sshll.u32 s0, $0xE  }
0xa: {  	s6 =	ssub.s32 $0x2, s9;
	_ =	strace $0x8000004A;
	s7 =	sadd.s32 s7, s4  }
0xb: {  	s4 =	sadd.s32 $0x7A0000, s5;
	s11 =	sadd.s32 s30, s5;
	s12 =	sshll.u32 s9, $0xD  }
.Ltmp0:
0xc: {  	s13 =	sshll.u32 s9, $0x7;
	s9 =	sor.u32 s9, s10;
	(pc) =	sbr.rel .LBB2_1-.Ltmp0, $4  }
0xd: {  	s10 =	simm.s32 $0x3;
	s8 =	sshrl.u32 s6, $0x1;
	s7 =	sadd.s32 s13, s7  }
0xe: {  	s13 =	simm.s32 $0x2400;
	s6 =	ssub.s32 s6, s8;
	s7 =	sadd.s32 $0xE7C00, s7  }
0xf: {  	s8 =	sor.u32 s12, s30;
	s31 =	smax.u32 s6, $0x1;
	s6 =	sadd.s32 s12, s11  }
0x10: {  	s11 =	simm.s32 $0x80;
	s12 =	simm.s32 $0x400;
	[dreg:$0x3] =	wrdreg s31  }
.LBB2_5:
0x11: {  	s28 =	sadd.s32 $0x1, s28;
	s0 =	rddreg [dreg:$0x3]  }
0x12: {  	p0 =	sne.s32 s28, s0  }
.Ltmp1:
0x13: {  	_ = 	snop;
	(pc) =	sbr.rel @!p0 .LBB2_6-.Ltmp1, $1  }
0x14: {  	_ =	sdelay $0x3  }
.LBB2_1:
.Ltmp2:
0x15: {  	(pc) =	sbr.rel .LBB2_2-.Ltmp2, $2  }
0x16: {  	_ =	sdelay $0x2  }
0x17: {  	s29 =	smov.u32 s9;
	s30 =	smov.u32 s7;
	s31 =	simm.s32 $0x0  }
.LBB2_4:
0x18: {  	s31 =	sadd.s32 $0x40000, s31  }
0x19: {  	p0 =	sne.s32 s31, $0x7C0000  }
.Ltmp3:
0x1a: {  	_ = 	snop;
	(pc) =	sbr.rel @!p0 .LBB2_5-.Ltmp3, $2  }
0x1b: {  	_ =	sdelay $0x2  }
0x1c: {  	s30 =	sadd.s32 $0x1000, s30;
	s29 =	sadd.s32 $0x20, s29  }
.LBB2_2:
0x1d: {  	p0 =	sgt.u32 s29, $0x3D0  }
.Ltmp4:
0x1e: {  	_ = 	snop;
	(pc) =	sbr.rel @p0 .LBB2_4-.Ltmp4, $1  }
0x1f: {  	_ =	sdelay $0x3  }
0x20: {  	[tilespmem:s2], [sflag:$0x3] =	stream.linear.gather [hbm4b:s30+s2], $0x400, $0x38;
	[tilespmem:$0x10400] =	vst v63  }
0x21: {  	_ =	swait.ge [sflag:s10], $0x400  }
0x22: {  	[sflag:s10] =	ssyncset.done $0x0  }
0x23: {  	[sflag:s10] =	ssyncadd.s32 $0xFFFFFC00  }
0x24: {  	[tilespmem:s12], [sflag:$0x1] =	stream.indirect.gather [hbm4b:s3+s11], $0x40, s2, s11, $0xb8;
	[tilespmem:$0x10400] =	vst v63  }
0x25: {  	_ = 	snop  }
0x26: {  	[tilespmem:s13], [sflag:$0x1] =	stream.indirect.gather [hbm4b:s3+s11], $0x40, s11, s11, $0xb8;
	[tilespmem:$0x10400] =	vst v63  }
0x27: {  	_ = 	snop  }
0x28: {  	[tilespmem:s15], [sflag:$0x1] =	stream.indirect.gather [hbm4b:s3+s11], $0x40, s14, s11, $0xb8;
	[tilespmem:$0x10400] =	vst v63  }
0x29: {  	_ = 	snop  }
0x2a: {  	[tilespmem:s17], [sflag:$0x1] =	stream.indirect.gather [hbm4b:s3+s11], $0x40, s16, s11, $0xb8;
	[tilespmem:$0x10400] =	vst v63  }
0x2b: {  	_ = 	snop  }
0x2c: {  	[tilespmem:s19], [sflag:$0x1] =	stream.indirect.gather [hbm4b:s3+s11], $0x40, s18, s11, $0xb8;
	[tilespmem:$0x10400] =	vst v63  }
0x2d: {  	_ = 	snop  }
0x2e: {  	[tilespmem:s21], [sflag:$0x1] =	stream.indirect.gather [hbm4b:s3+s11], $0x40, s20, s11, $0xb8;
	[tilespmem:$0x10400] =	vst v63  }
0x2f: {  	_ = 	snop  }
0x30: {  	[tilespmem:s23], [sflag:$0x1] =	stream.indirect.gather [hbm4b:s3+s11], $0x40, s22, s11, $0xb8;
	[tilespmem:$0x10400] =	vst v63  }
0x31: {  	_ = 	snop  }
0x32: {  	[tilespmem:s25], [sflag:$0x1] =	stream.indirect.gather [hbm4b:s3+s11], $0x40, s24, s11, $0xb8;
	[tilespmem:$0x10400] =	vst v63  }
0x33: {  	_ =	swait.ge [sflag:s26], $0x2000  }
0x34: {  	[sflag:s26] =	ssyncset.done $0x0  }
0x35: {  	[sflag:s26] =	ssyncadd.s32 $0xFFFFE000  }
0x36: {  	_ =	swait.ge [sflag:s26], $0x2000  }
0x37: {  	[sflag:s26] =	ssyncset.done $0x0  }
0x38: {  	[sflag:s26] =	ssyncadd.s32 $0xFFFFE000  }
0x39: {  	_ =	swait.ge [sflag:s26], $0x2000  }
0x3a: {  	[sflag:s26] =	ssyncset.done $0x0  }
0x3b: {  	[sflag:s26] =	ssyncadd.s32 $0xFFFFE000  }
0x3c: {  	_ =	swait.ge [sflag:s26], $0x2000  }
0x3d: {  	[sflag:s26] =	ssyncset.done $0x0  }
0x3e: {  	[sflag:s26] =	ssyncadd.s32 $0xFFFFE000  }
0x3f: {  	_ =	swait.ge [sflag:s26], $0x2000  }
0x40: {  	[sflag:s26] =	ssyncset.done $0x0  }
0x41: {  	[sflag:s26] =	ssyncadd.s32 $0xFFFFE000  }
0x42: {  	_ =	swait.ge [sflag:s26], $0x2000  }
0x43: {  	[sflag:s26] =	ssyncset.done $0x0  }
0x44: {  	[sflag:s26] =	ssyncadd.s32 $0xFFFFE000  }
0x45: {  	_ =	swait.ge [sflag:s26], $0x2000  }
0x46: {  	[sflag:s26] =	ssyncset.done $0x0  }
0x47: {  	s0 =	sadd.s32 s31, s8;
	[sflag:s26] =	ssyncadd.s32 $0xFFFFE000  }
0x48: {  	s0 =	sadd.s32 $0xFF860000, s0;
	_ =	swait.ge [sflag:s26], $0x2000  }
0x49: {  	p0 =	seq.s32 s0, $0x0;
	[sflag:s26] =	ssyncset.done $0x0  }
0x4a: {  	s0 =	simm.s32 @p0 $0x0;
	s1 =	simm.s32 @p0 $0x400;
	[sflag:s26] =	ssyncadd.s32 $0xFFFFE000  }
0x4b: {  	[hbm4b:s4+s0] =	stream.linear.scatter @p0 [tilespmem:s1], [sflag:$0x2], $0x9000, $0x38;
	[tilespmem:$0x10400] =	vst v63  }
0x4c: {  	s0 =	simm.s32 @p0 $0x2  }
0x4d: {  	_ =	swait.ge @p0 [sflag:s0], $0x9000  }
0x4e: {  	s5 =	simm.s32 @!p0 $0x400;
	[sflag:s0] =	ssyncset.done @p0 $0x0  }
0x4f: {  	s1 =	simm.s32 @!p0 $0x0;
	[sflag:s0] =	ssyncadd.s32 @p0 $0xFFFF7000;
	s0 =	sadd.s32 @!p0 s31, s6  }
0x50: {  	[hbm4b:s0+s1] =	stream.linear.scatter @!p0 [tilespmem:s5], [sflag:$0x3], $0x10000, $0x38;
	[tilespmem:$0x10400] =	vst v63  }
.Ltmp5:
0x51: {  	_ = 	snop;
	(pc) =	sbr.rel .LBB2_4-.Ltmp5, $4  }
0x52: {  	s0 =	simm.s32 @!p0 $0x3  }
0x53: {  	_ =	swait.ge @!p0 [sflag:s0], $0x10000  }
0x54: {  	[sflag:s0] =	ssyncset.done @!p0 $0x0  }
0x55: {  	[sflag:s0] =	ssyncadd.s32 @!p0 $0xFFFF0000  }
.LBB2_6:
0x56: {  	_ =	sfence.sel $0x180000  }
0x57: {  	[bflag:$0x0] =	sbarrier.arrive $0xFFFF  }
0x58: {  	_ =	strace $0x9000004A  }
0x59: {  	s0 =	stileid.u32;
	[bflag:$0x2] =	sbarrier.arrive $0xFFFF  }
0x5a: {  	p0 =	sne.s32 s0, $0x0;
	s0 =	rddreg [dreg:$0x2]  }
0x5b: {  	s0 =	sadd.s32 @!p0 $0x100000, s0  }
0x5c: {  	[sflag:s0] =	ssyncadd.tile.s32 @!p0 $0x1;
	_ =	shalt  }
.Lfunc_end2:
_tile_overlayer_lowered:
.L_overlay_start_2:
0x5d: {  	(tag) =	ssettag $0x2  }
0x5e: {  	s0 =	rddreg [dreg:$0x0];
	s2 =	stileid.u32  }
0x5f: {  	s1 =	rddreg [dreg:$0x1];
	p0 =	sne.s32 s2, $0x0  }
0x60: {  	s3 =	rddreg [dreg:$0x2];
	[bflag:$0x3] =	sbarrier.arrive $0xFFFF;
	s2 =	simm.s32 @!p0 $0x1C02  }
0x61: {  	[timem:s3], [sflag:s2] =	dma.local @!p0 [hbm:s0], s1  }
0x62: {  	s0 =	simm.s32 @!p0 $0x2  }
0x63: {  	_ =	swait.ge @!p0 [sflag:s0], s1  }
0x64: {  	s1 =	ssub.s32 @!p0 $0x0, s1;
	[sflag:s0] =	ssyncset.done @!p0 $0x0  }
0x65: {  	[sflag:s0] =	ssyncadd.s32 @!p0 s1  }
0x66: {  	[bflag:$0x3] =	sbarrier.arrive $0xFFFF  }
0x67: {  	_ =	shalt  }

// kernel: sparse-core-data-format-call.cloned.1.call-start
scs
called_computation_lowered:
.L_overlay_start_0:
0x0: {  	s2 =	sld [smem:$0x3FD9]  }
0x1: {  	s3 =	sld [smem:$0x3FFE];
	_ =	sdelay $0x1  }
0x2: {  	s1 =	srdreg.scid  }
0x3: {  	s0 =	sand.u32 $0x1, s1  }
0x4: {  	s18 =	sshll.u32 s0, $0xA;
	s2 =	sadd.s32 s3, s2  }
0x5: {  	s2 =	sadd.s32 s2, s18  }
0x6: {  	[smem:$0x3FC4] =	sst s2  }
0x7: {  	_ = 	snop  }
0x8: {  	s2 =	sld [smem:$0x3FD0];
	(tm) =	ssettm $0x1  }
0x9: {  	s19 =	sld [smem:$0x3FFB];
	_ =	sdelay $0x3  }
0xa: {  	_ =	strace s19  }
0xb: {  	s3 =	sld [smem:$0x3FFC];
	_ =	sdelay $0x3  }
0xc: {  	_ =	strace s3  }
0xd: {  	s3 =	sld [smem:$0x3FFD];
	_ =	sdelay $0x3  }
0xe: {  	_ =	strace s3  }
0xf: {  	_ =	strace $0x8FFFFFFF  }
0x10: {  	s20 =	sld [smem:$0x3FDB];
	_ =	sdelay $0x1  }
0x11: {  	s4 =	simm.s32 $_scs_section_size  }
0x12: {  	s5 =	simm.s32 $_size__tile_overlayer_lowered;
	s6 =	simm.s32 $_tile_overlayer_lowered  }
0x13: {  	s23 =	simm.s32 $0x1BFF;
	s22 =	sshll.u32 s6, $0x1;
	s3 =	sadd.s32 s4, s20  }
0x14: {  	s7 =	simm.s32 $0x0;
	s21 =	sshll.u32 s5, $0x1;
	s5 =	sadd.s32 s22, s3  }
0x15: {  	[timem:s7], [sflag:s23] =	dma.local [hbm:s5], s21  }
0x16: {  	_ =	swait.ge [sflag:s23], s21  }
0x17: {  	s4 =	ssub.s32 $0x0, s21;
	[sflag:s23] =	ssyncset.done $0x0  }
0x18: {  	[sflag:s23] =	ssyncadd.s32 s4;
	_ =	sdelay $0x1  }
0x19: {  	s24 =	simm.s32 $0x1B8B  }
0x1a: {  	_ =	swait.ge [sflag:s24], $0x1  }
0x1b: {  	[sflag:s24] =	ssyncset.done $0x0  }
0x1c: {  	s26 =	simm.s32 $0x1B8E;
	s25 =	sld [smem:$0x3FFE];
	[sflag:s24] =	ssyncadd.s32 $0xFFFFFFFF  }
0x1d: {  	s27 =	simm.s32 $execute0_lowered;
	[smem:$0x3FD2] =	sst s26  }
0x1e: {  	s5 =	sshll.u32 s27, $0x1;
	_ =	strace $0x8000004C;
	[dreg:$0x1] =	wrdreg $0xFFFFFFFF  }
0x1f: {  	s28 =	simm.s32 $_size_execute0_lowered;
	s3 =	sadd.s32 s3, s5;
	[dreg:$0x0] =	wrdreg $0x0  }
0x20: {  	s5 =	sshll.u32 s28, $0x1;
	[dreg:$0x2] =	wrdreg s3  }
0x21: {  	[dreg:$0x3] =	wrdreg s5  }
0x22: {  	[dreg:$0x4] =	wrdreg $0xC0  }
0x23: {  	_ =	task [dreg:s7], $0x5FFFF  }
0x24: {  	[dreg:$0x1] =	wrdreg $0xFFFFFFFF  }
0x25: {  	[dreg:$0x0] =	wrdreg $0x60  }
0x26: {  	[dreg:$0x2] =	wrdreg s25  }
0x27: {  	[dreg:$0x3] =	wrdreg s2  }
0x28: {  	[dreg:$0x4] =	wrdreg $0x9  }
0x29: {  	_ =	task.clear_ibuf [dreg:s7], $0x5FFFF;
	_ =	strace $0x9000004C  }
0x2a: {  	s29 =	simm.s32 $0x9;
	_ =	strace $0x8000004E  }
0x2b: {  	_ =	swait.ge [sflag:s29], $0x1  }
0x2c: {  	[sflag:s29] =	ssyncadd.s32 $0xFFFFFFFF  }
0x2d: {  	_ =	strace $0x9000004E  }
0x2e: {  	_ =	sfence  }
0x2f: {  	s30 =	sld [smem:$0x0];
	_ =	sdelay $0x2  }
0x30: {  	s31 =	sshll.u32 s1, $0xD;
	s1 =	sshrl.u32 s1, $0x2  }
0x31: {  	s3 =	sand.u32 $0x4000, s31;
	s1 =	sadd.s32 s1, s30  }
0x32: {  	s0 =	sor.u32 s3, s0;
	s1 =	sshll.u32 s1, $0x11  }
0x33: {  	s0 =	sor.u32 s1, s0  }
0x34: {  	s0 =	sadd.s32 $0x8F2B, s0  }
0x35: {  	[sflag:s0] =	ssyncadd.remote.s32 $0x1  }
0x36: {  	_ =	sfence.sel $0xFFFF  }
0x37: {  	[dreg:$0x0] =	wrdreg $0xFFFFFFFF;
	(pc) =	sbr.abs _section_cstart, $3  }
0x38: {  	[dreg:$0x1] =	wrdreg $0xFFFFFFFF  }
0x39: {  	_ =	task.clear_ibuf [dreg:s7], $0x2FFFF;
	_ =	strace $0x9FFFFFFF  }
0x3a: {  	(tm) =	ssettm $0x7FFFFFFF  }
0x3b: {  	_ =	shalt  }
tec
execute0_lowered:
.L_overlay_start_1:
0x0: {  	(tag) =	ssettag $0x1  }
0x1: {  	s4 =	rddreg [dreg:$0x0]  }
0x2: {  	s0 =	srdreg.scid;
	s2 =	rddreg [dreg:$0x1]  }
0x3: {  	s1 =	stileid.u32;
	s5 =	simm.s32 $0x1;
	s0 =	sshll.u32 s0, $0x4  }
0x4: {  	s7 =	simm.s32 $0x2;
	s11 =	simm.s32 $0x0;
	s3 =	sand.u32 $0x10, s0  }
.Ltmp0:
0x5: {  	p0 =	por $0x0, $0x0;
	s3 =	sor.u32 s1, s3;
	(pc) =	sbr.rel .LBB1_1-.Ltmp0, $4  }
0x6: {  	s8 =	simm.s32 $0x7A1400;
	s10 =	simm.s32 $0x0;
	s3 =	sshll.u32 s3, $0x7  }
0x7: {  	s0 =	rddreg [dreg:$0x2];
	_ =	strace $0x8000004D;
	s6 =	ssub.s32 $0xF4200, s3  }
0x8: {  	s4 =	sadd.s32 $0x1000, s4;
	[sflag:s5] =	ssyncpa.u1 $0x0;
	s6 =	sshrl.u32 s6, $0xC  }
0x9: {  	[sflag:s7] =	ssyncpa.u1 $0x0;
	s9 =	smov.u32 s3;
	s7 =	sadd.s32 $0x2, s6  }
.LBB1_5:
0xa: {  	s13 =	sadd.s32 $0x1000, s9  }
0xb: {  	p2 =	sgt.s32 s13, $0xF423F  }
0xc: {  	s13 =	smov.u32 @p2 s3;
	p2 =	sne.s32 s10, s7  }
.Ltmp1:
0xd: {  	p1 =	slt.u32 s10, $0x2;
	(pc) =	sbr.rel @!p2 .LBB1_6-.Ltmp1, $4  }
0xe: {  	s12 =	simm.s32 @!p1 $0x2  }
0xf: {  	s14 =	sadd.s32 $0x1, s10;
	_ =	swait.ge @!p1 [sflag:s12], $0x2000  }
0x10: {  	s11 =	smov.u32 s9;
	p0 =	por !p0, !p0;
	[sflag:s12] =	ssyncset.done @!p1 $0x0  }
0x11: {  	s10 =	smov.u32 s14;
	s9 =	smov.u32 s13;
	[sflag:s12] =	ssyncadd.s32 @!p1 $0xFFFFE000  }
.LBB1_1:
0x12: {  	p1 =	sgt.u32 s10, s6  }
0x13: {  	s13 =	smov.u32 s9;
	p2 =	sgt.s32 @!p1 s9, $0xF41C0  }
0x14: {  	s12 =	sand.u32 @!p1 $0x1FFFFFF, s9;
	s14 =	sshra.s32 @!p1 s9, $0x1F;
	p2 =	por !p2, p1  }
0x15: {  	s15 =	smulhi.u32 @!p1 $0x218DEF5, s12;
	s14 =	sand.u32 @!p1 s14, s9;
	s13 =	simm.s32 @p2 $0xF41C0  }
0x16: {  	s13 =	ssub.s32 @!p1 s13, s14  }
0x17: {  	s14 =	sshrl.u32 @!p1 s15, $0xD;
	s13 =	sadd.s32 @!p1 $0xFFF0BE40, s13  }
0x18: {  	s15 =	sxor.u32 @!p1 $0xFFFFFFFF, s10;
	s14 =	smul.u32 @!p1 $0xF4240, s14;
	s16 =	sshll.u32 @!p1 s13, $0x8  }
0x19: {  	s15 =	sshll.u32 @!p1 s15, $0xD;
	p2 =	sgt.s32 @!p1 s13, $0x7F;
	s13 =	ssub.s32 @!p1 $0x8000, s16  }
0x1a: {  	s12 =	ssub.s32 @!p1 s12, s14;
	p2 =	por !p2, p1;
	s14 =	sand.u32 @!p1 $0x2000, s15  }
0x1b: {  	s15 =	simm.s32 @!p1 $0x40;
	s13 =	sshrl.u32 @!p1 s13, $0x2;
	s12 =	sshll.u32 @!p1 s12, $0x4  }
0x1c: {  	s16 =	simm.s32 @!p1 $0x80;
	s13 =	simm.s32 @!p2 $0x0;
	s12 =	sadd.s32 @!p1 s4, s12  }
0x1d: {  	[tilespmem:s14], [sflag:$0x1] =	stream.strided.gather @!p1 [hbm4b:s12+s15], s13, s16, s15, $0x38;
	[tilespmem:$0x8080] =	vst v63  }
0x1e: {  	p1 =	seq.s32 s10, $0x0  }
0x1f: {  	p2 =	sge.u32 @!p1 s10, s7  }
0x20: {  	p1 =	por p1, p2  }
.Ltmp2:
0x21: {  	_ = 	snop;
	(pc) =	sbr.rel @p1 .LBB1_5-.Ltmp2, $1  }
0x22: {  	_ =	sdelay $0x3  }
0x23: {  	p1 =	sgt.s32 s11, $0xF41C0;
	s12 =	smov.u32 s11;
	s13 =	sshra.s32 s11, $0x1F  }
0x24: {  	s12 =	simm.s32 @!p1 $0xF41C0;
	s13 =	sand.u32 s13, s11  }
0x25: {  	s12 =	ssub.s32 s12, s13  }
0x26: {  	s12 =	sadd.s32 $0xFFF0BE40, s12  }
0x27: {  	s28 =	sshll.u32 s12, $0x8  }
0x28: {  	s13 =	ssub.s32 $0x8000, s28  }
0x29: {  	p1 =	sgt.s32 s12, $0x7F;
	s12 =	sshrl.u32 s13, $0x2  }
0x2a: {  	s13 =	simm.s32 $0x1;
	s12 =	simm.s32 @p1 $0x0  }
0x2b: {  	s13 =	simm.s32 @!p0 $0x0;
	_ =	swait.ge [sflag:s5], s12  }
0x2c: {  	s14 =	sshll.u32 s13, $0xD;
	s12 =	ssub.s32 $0x0, s12;
	[sflag:s5] =	ssyncset.done $0x0  }
0x2d: {  	s16 =	sor.u32 $0x20, s14;
	[sflag:s5] =	ssyncadd.s32 s12  }
0x2e: {  	s29 =	smul.u32 $0x8100, s13;
	v3 =	vld [tilespmem:s16+$0x10]  }
0x2f: {  	s30 =	sand.u32 $0x1, s10;
	v2 =	vld [tilespmem:s16+$0xFFFFFFF0]  }
0x30: {  	s13 =	smul.u32 $0x8100, s30;
	s12 =	sshrl.u32 s29, $0x2;
	v0 =	vld [tilespmem:s16+$0x0]  }
0x31: {  	s14 =	sor.u32 $0x4000, s12;
	v1 =	vld [tilespmem:s16+$0xFFFFFFE0]  }
0x32: {  	s31 =	sshrl.u32 s13, $0x2;
	s13 =	sadd.s32 $0x0, s14  }
0x33: {  	s15 =	simm.s32 $0x4;
	s12 =	sor.u32 $0x4000, s31;
	s16 =	sadd.s32 $0x40, s16;
	[tilespmem:s13+$0x1830 ss:$0x81] =	vst.msk $0xffff, v3  }
.LBB1_3:
0x34: {  	v3 =	vld [tilespmem:s16+$0x10];
	p1 =	sne.s32 s15, $0x1FC;
	[tilespmem:s13+$0x810 ss:$0x81] =	vst.msk $0xffff, v2;
	s17 =	smov.u32 s15;
	s15 =	sadd.s32 $0x4, s15  }
.Ltmp3:
0x35: {  	v2 =	vld [tilespmem:s16+$0xFFFFFFF0];
	[tilespmem:s13+$0x1020 ss:$0x81] =	vst.msk $0xffff, v0;
	(pc) =	sbr.rel @p1 .LBB1_3-.Ltmp3, $4  }
0x36: {  	v0 =	vld [tilespmem:s16+$0x0];
	[tilespmem:s13+$0x0 ss:$0x81] =	vst.msk $0xffff, v1  }
0x37: {  	s13 =	sshra.s32 s17, $0x2;
	v1 =	vld [tilespmem:s16+$0xFFFFFFE0]  }
0x38: {  	s13 =	sadd.s32 s13, s14  }
0x39: {  	s16 =	sadd.s32 $0x40, s16;
	[tilespmem:s13+$0x1830 ss:$0x81] =	vst.msk $0xffff, v3  }
0x3a: {  	s14 =	sshll.u32 s11, $0x3  }
0x3b: {  	s30 =	sand.u32 $0x7F, s11;
	s14 =	sand.u32 $0xFFFFFC00, s14  }
0x3c: {  	s11 =	sor.u32 s30, s14  }
0x3d: {  	s15 =	smulhi.u32 $0x218D6287, s11;
	_ =	sdelay $0x1  }
0x3e: {  	s14 =	smulhi.u32 $0x218D6287, s14;
	s15 =	sshrl.u32 s15, $0x11  }
0x3f: {  	s15 =	smul.u32 $0xF4280, s15  }
0x40: {  	s14 =	sshrl.u32 s14, $0x11  }
.Ltmp4:
0x41: {  	s14 =	sand.u32 $0x3F, s14;
	s11 =	ssub.s32 s11, s15;
	(pc) =	sbr.rel .LBB1_5-.Ltmp4, $4  }
0x42: {  	[tilespmem:s13+$0x810 ss:$0x81] =	vst.msk $0xffff, v2;
	s14 =	smul.u32 $0x1E850, s14;
	s15 =	sshrl.u32 s11, $0x3;
	s11 =	sand.u32 $0x7, s11  }
0x43: {  	[tilespmem:s13+$0x1020 ss:$0x81] =	vst.msk $0xffff, v0;
	s15 =	sadd.s32 s2, s15;
	s11 =	sshll.u32 s11, $0x12  }
0x44: {  	[tilespmem:s13+$0x0 ss:$0x81] =	vst.msk $0xffff, v1;
	s31 =	sadd.s32 s14, s15;
	s11 =	sor.u32 $0x400, s11  }
0x45: {  	[hbm4b:s31+s11] =	stream.strided.scatter [tilespmem:s12], [sflag:$0x2], $0x2000, s8, s11, $0x20;
	[tilespmem:$0x8080] =	vst v63  }
.LBB1_6:
0x46: {  	_ =	sfence.sel $0x180000  }
0x47: {  	s2 =	simm.s32 $0x1;
	[bflag:$0x0] =	sbarrier.arrive $0xFFFF  }
0x48: {  	s31 =	simm.s32 $0x2;
	[sflag:s2] =	ssyncpa.u1 $0x1  }
0x49: {  	[sflag:s31] =	ssyncpa.u1 $0x1  }
0x4a: {  	p0 =	sne.s32 s1, $0x0;
	_ =	strace $0x9000004D  }
0x4b: {  	s0 =	sadd.s32 @!p0 $0x100000, s0;
	[bflag:$0x2] =	sbarrier.arrive $0xFFFF  }
0x4c: {  	[sflag:s0] =	ssyncadd.tile.s32 @!p0 $0x1;
	_ =	shalt  }
.Lfunc_end1:
_tile_overlayer_lowered:
.L_overlay_start_2:
0x4d: {  	(tag) =	ssettag $0x2  }
0x4e: {  	s0 =	rddreg [dreg:$0x0];
	s2 =	stileid.u32  }
0x4f: {  	s1 =	rddreg [dreg:$0x1];
	p0 =	sne.s32 s2, $0x0  }
0x50: {  	s3 =	rddreg [dreg:$0x2];
	[bflag:$0x3] =	sbarrier.arrive $0xFFFF;
	s2 =	simm.s32 @!p0 $0x1C01  }
0x51: {  	[timem:s3], [sflag:s2] =	dma.local @!p0 [hbm:s0], s1  }
0x52: {  	s0 =	simm.s32 @!p0 $0x1  }
0x53: {  	_ =	swait.ge @!p0 [sflag:s0], s1  }
0x54: {  	s1 =	ssub.s32 @!p0 $0x0, s1;
	[sflag:s0] =	ssyncset.done @!p0 $0x0  }
0x55: {  	[sflag:s0] =	ssyncadd.s32 @!p0 s1  }
0x56: {  	[bflag:$0x3] =	sbarrier.arrive $0xFFFF  }
0x57: {  	_ =	shalt  }

</sc_bundles>
